<compile_context>
chip_gen: v7x
topology: tpu7x:2x2x1
jax: 0.10.2.dev20260603
libtpu: 0.0.44.dev20260713+nightly
codegen_flags: <defaults>
</compile_context>

<pallas_src>
import functools

import jax
import jax.numpy as jnp
from jax import lax
from jax.experimental import pallas as pl
from jax.experimental.pallas import tpu as pltpu
from jax.experimental.pallas import tpu_sc as plsc

_FACTORS = 64
_BATCH = 16384
_NC = 2
_NS = 16
_NW = _NC * _NS
_BPW = _BATCH // _NW
_CHUNK = 128
_NCHUNK = _BPW // _CHUNK
_LANES = 16


def _sc_kernel(users_hbm, pos_hbm, neg_hbm, uemb_hbm, iemb_hbm,
               ubias_hbm, ibias_hbm, pos_out, neg_out,
               uidx, pidx, nidx, urows, irows, jrows,
               bu, bi, bj, pos_v, neg_v, sem):
    c = lax.axis_index("c")
    s = lax.axis_index("s")
    wid = s * _NC + c
    base = wid * _BPW

    pltpu.sync_copy(users_hbm.at[pl.ds(base, _BPW)], uidx)
    pltpu.sync_copy(pos_hbm.at[pl.ds(base, _BPW)], pidx)
    pltpu.sync_copy(neg_hbm.at[pl.ds(base, _BPW)], nidx)

    copies = []
    for k in range(_NCHUNK):
        rs = pl.ds(k * _CHUNK, _CHUNK)
        copies.append(pltpu.async_copy(uemb_hbm.at[uidx.at[rs]], urows.at[rs], sem))
        copies.append(pltpu.async_copy(iemb_hbm.at[pidx.at[rs]], irows.at[rs], sem))
        copies.append(pltpu.async_copy(iemb_hbm.at[nidx.at[rs]], jrows.at[rs], sem))
        copies.append(pltpu.async_copy(ubias_hbm.at[uidx.at[rs]], bu.at[rs], sem))
        copies.append(pltpu.async_copy(ibias_hbm.at[pidx.at[rs]], bi.at[rs], sem))
        copies.append(pltpu.async_copy(ibias_hbm.at[nidx.at[rs]], bj.at[rs], sem))
    for cp in copies:
        cp.wait()

    iota = lax.iota(jnp.int32, _LANES)

    def chunk_body(k, carry):
        rows = k * _LANES + iota
        acc_p = jnp.zeros((_LANES,), jnp.float32)
        acc_n = jnp.zeros((_LANES,), jnp.float32)
        for f in range(_FACTORS):
            cols = jnp.full((_LANES,), f, jnp.int32)
            uv = plsc.load_gather(urows, [rows, cols])
            iv = plsc.load_gather(irows, [rows, cols])
            jv = plsc.load_gather(jrows, [rows, cols])
            acc_p = acc_p + uv * iv
            acc_n = acc_n + uv * jv
        sl = pl.ds(k * _LANES, _LANES)
        buv = bu[sl]
        pos_v[sl] = acc_p + buv + bi[sl]
        neg_v[sl] = acc_n + buv + bj[sl]
        return carry

    lax.fori_loop(0, _BPW // _LANES, chunk_body, 0)

    pltpu.sync_copy(pos_v, pos_out.at[pl.ds(base, _BPW)])
    pltpu.sync_copy(neg_v, neg_out.at[pl.ds(base, _BPW)])


@jax.jit
def _run(users, pos_items, neg_items, user_emb, item_emb, user_bias, item_bias):
    mesh = plsc.VectorSubcoreMesh(core_axis_name="c", subcore_axis_name="s")
    kern = functools.partial(
        pl.kernel,
        mesh=mesh,
        compiler_params=pltpu.CompilerParams(needs_layout_passes=False,
                                             use_tc_tiling_on_sc=False),
        out_type=(
            jax.ShapeDtypeStruct((_BATCH,), jnp.float32),
            jax.ShapeDtypeStruct((_BATCH,), jnp.float32),
        ),
        scratch_types=[
            pltpu.VMEM((_BPW,), jnp.int32),
            pltpu.VMEM((_BPW,), jnp.int32),
            pltpu.VMEM((_BPW,), jnp.int32),
            pltpu.VMEM((_BPW, _FACTORS), jnp.float32),
            pltpu.VMEM((_BPW, _FACTORS), jnp.float32),
            pltpu.VMEM((_BPW, _FACTORS), jnp.float32),
            pltpu.VMEM((_BPW,), jnp.float32),
            pltpu.VMEM((_BPW,), jnp.float32),
            pltpu.VMEM((_BPW,), jnp.float32),
            pltpu.VMEM((_BPW,), jnp.float32),
            pltpu.VMEM((_BPW,), jnp.float32),
            pltpu.SemaphoreType.DMA,
        ],
    )(_sc_kernel)
    return kern(users, pos_items, neg_items, user_emb, item_emb,
                user_bias, item_bias)


def kernel(users, pos_items, neg_items, user_emb, item_emb, user_bias, item_bias):
    users = users.astype(jnp.int32)
    pos_items = pos_items.astype(jnp.int32)
    neg_items = neg_items.astype(jnp.int32)
    ub = user_bias.reshape((-1,))
    ib = item_bias.reshape((-1,))
    return _run(users, pos_items, neg_items, user_emb, item_emb, ub, ib)

# --- scband reference (transcript-rebuilt; emitter-appended) ---
"""Pipeline reference for scband-bprmfmodel-25494925869106 (READ-ONLY COPY).

The authoritative reference and input builder live on the scoring server;
editing this copy changes nothing except your own understanding.
"""

import jax, jax.numpy as jnp
import numpy as np

NUM_USERS = 1000000
NUM_ITEMS = 1000000
FACTORS = 64
BATCH = 16384


def setup_inputs(seed: int = 0) -> dict:
    key = jax.random.key(seed)
    k1, k2, k3, k4, k5 = jax.random.split(key, 5)
    users = jax.random.randint(k1, (BATCH,), 0, NUM_USERS)
    pos_items = jax.random.randint(k2, (BATCH,), 0, NUM_ITEMS)
    neg_items = jax.random.randint(k3, (BATCH,), 0, NUM_ITEMS)
    user_emb = 0.01 * jax.random.normal(k4, (NUM_USERS, FACTORS), dtype=jnp.float32)
    item_emb = 0.01 * jax.random.normal(k5, (NUM_ITEMS, FACTORS), dtype=jnp.float32)
    user_bias = jnp.zeros((NUM_USERS, 1), dtype=jnp.float32)
    item_bias = jnp.zeros((NUM_ITEMS, 1), dtype=jnp.float32)
    return {
        "users": users,
        "pos_items": pos_items,
        "neg_items": neg_items,
        "user_emb": user_emb,
        "item_emb": item_emb,
        "user_bias": user_bias,
        "item_bias": item_bias,
    }


def reference(users, pos_items, neg_items, user_emb, item_emb, user_bias, item_bias):
    u = jnp.take(user_emb, users, axis=0)
    i = jnp.take(item_emb, pos_items, axis=0)
    j = jnp.take(item_emb, neg_items, axis=0)
    bu = jnp.take(user_bias, users, axis=0)[:, 0]
    bi = jnp.take(item_bias, pos_items, axis=0)[:, 0]
    bj = jnp.take(item_bias, neg_items, axis=0)[:, 0]
    pos_scores = jnp.sum(u * i, axis=1) + bu + bi
    neg_scores = jnp.sum(u * j, axis=1) + bu + bj
    return (pos_scores, neg_scores)

if __name__ == "__main__":
    import jax
    _d = setup_inputs()
    print(jax.jit(kernel)(*tuple(_d.values())))

</pallas_src>

<mosaic_0001>
#map = affine_map<(d0, d1) -> (0)>
#map1 = affine_map<(d0, d1) -> (0, 0)>
module attributes {stable_mosaic.version = 14 : i64} {
  func.func @_sc_kernel(%arg0: i32, %arg1: i32, %arg2: memref<16384xi32, #tpu.memory_space<hbm>>, %arg3: memref<16384xi32, #tpu.memory_space<hbm>>, %arg4: memref<16384xi32, #tpu.memory_space<hbm>>, %arg5: memref<1000000x64xf32, #tpu.memory_space<hbm>>, %arg6: memref<1000000x64xf32, #tpu.memory_space<hbm>>, %arg7: memref<1000000xf32, #tpu.memory_space<hbm>>, %arg8: memref<1000000xf32, #tpu.memory_space<hbm>>, %arg9: memref<16384xf32, #tpu.memory_space<hbm>>, %arg10: memref<16384xf32, #tpu.memory_space<hbm>>, %arg11: memref<512xi32, #tpu.memory_space<vmem>>, %arg12: memref<512xi32, #tpu.memory_space<vmem>>, %arg13: memref<512xi32, #tpu.memory_space<vmem>>, %arg14: memref<512x64xf32, #tpu.memory_space<vmem>>, %arg15: memref<512x64xf32, #tpu.memory_space<vmem>>, %arg16: memref<512x64xf32, #tpu.memory_space<vmem>>, %arg17: memref<512xf32, #tpu.memory_space<vmem>>, %arg18: memref<512xf32, #tpu.memory_space<vmem>>, %arg19: memref<512xf32, #tpu.memory_space<vmem>>, %arg20: memref<512xf32, #tpu.memory_space<vmem>>, %arg21: memref<512xf32, #tpu.memory_space<vmem>>, %arg22: memref<!tpu.dma_semaphore, #tpu.memory_space<semaphore_mem>>) attributes {dimension_semantics = [#tpu.dimension_semantics<core_parallel>, #tpu.dimension_semantics<subcore_parallel>], iteration_bounds = array<i64: 2, 16>, scalar_prefetch = 0 : i64, scratch_operands = 12 : i64, tpu.core_type = #tpu.core_type<sc_vector_subcore>, window_params = [{transform_indices = #map}, {transform_indices = #map}, {transform_indices = #map}, {transform_indices = #map1}, {transform_indices = #map1}, {transform_indices = #map}, {transform_indices = #map}, {transform_indices = #map}, {transform_indices = #map}]} {
    %mul3A = arith.constant 2 : i32
    %mul3A_0 = arith.muli %arg1, %mul3A : i32
    %add3A = arith.addi %mul3A_0, %arg0 : i32
    %mul3A_1 = arith.constant 512 : i32
    %mul3A_2 = arith.muli %add3A, %mul3A_1 : i32
    "tpu.region"() ({
      %run_scoped3A = tpu.sem_alloc : memref<!tpu.dma_semaphore, #tpu.memory_space<semaphore_mem>>
      %dma_start3A_342 = tpu.memref_slice %arg2[%mul3A_2] : memref<16384xi32, #tpu.memory_space<hbm>> -> memref<512xi32, #tpu.memory_space<hbm>>
      %dma_start3A_343 = tpu.memref_slice %arg2[%mul3A_2] : memref<16384xi32, #tpu.memory_space<hbm>> -> memref<512xi32, #tpu.memory_space<hbm>>
      tpu.enqueue_dma source(%dma_start3A_343 : memref<512xi32, #tpu.memory_space<hbm>>) target(%arg11 : memref<512xi32, #tpu.memory_space<vmem>>) target_semaphore(%run_scoped3A : memref<!tpu.dma_semaphore, #tpu.memory_space<semaphore_mem>>)
      %dma_wait3A_344 = tpu.memref_slice %arg2[%mul3A_2] : memref<16384xi32, #tpu.memory_space<hbm>> -> memref<512xi32, #tpu.memory_space<hbm>>
      %dma_wait3A_345 = tpu.memref_slice %arg2[%mul3A_2] : memref<16384xi32, #tpu.memory_space<hbm>> -> memref<512xi32, #tpu.memory_space<hbm>>
      tpu.wait_dma2 semaphore(%run_scoped3A : memref<!tpu.dma_semaphore, #tpu.memory_space<semaphore_mem>>) src(%dma_wait3A_345 : memref<512xi32, #tpu.memory_space<hbm>>) dst(%arg11 : memref<512xi32, #tpu.memory_space<vmem>>)
      tpu.yield
    }) : () -> ()
    "tpu.region"() ({
      %run_scoped3A = tpu.sem_alloc : memref<!tpu.dma_semaphore, #tpu.memory_space<semaphore_mem>>
      %dma_start3A_342 = tpu.memref_slice %arg3[%mul3A_2] : memref<16384xi32, #tpu.memory_space<hbm>> -> memref<512xi32, #tpu.memory_space<hbm>>
      %dma_start3A_343 = tpu.memref_slice %arg3[%mul3A_2] : memref<16384xi32, #tpu.memory_space<hbm>> -> memref<512xi32, #tpu.memory_space<hbm>>
      tpu.enqueue_dma source(%dma_start3A_343 : memref<512xi32, #tpu.memory_space<hbm>>) target(%arg12 : memref<512xi32, #tpu.memory_space<vmem>>) target_semaphore(%run_scoped3A : memref<!tpu.dma_semaphore, #tpu.memory_space<semaphore_mem>>)
      %dma_wait3A_344 = tpu.memref_slice %arg3[%mul3A_2] : memref<16384xi32, #tpu.memory_space<hbm>> -> memref<512xi32, #tpu.memory_space<hbm>>
      %dma_wait3A_345 = tpu.memref_slice %arg3[%mul3A_2] : memref<16384xi32, #tpu.memory_space<hbm>> -> memref<512xi32, #tpu.memory_space<hbm>>
      tpu.wait_dma2 semaphore(%run_scoped3A : memref<!tpu.dma_semaphore, #tpu.memory_space<semaphore_mem>>) src(%dma_wait3A_345 : memref<512xi32, #tpu.memory_space<hbm>>) dst(%arg12 : memref<512xi32, #tpu.memory_space<vmem>>)
      tpu.yield
    }) : () -> ()
    "tpu.region"() ({
      %run_scoped3A = tpu.sem_alloc : memref<!tpu.dma_semaphore, #tpu.memory_space<semaphore_mem>>
      %dma_start3A_342 = tpu.memref_slice %arg4[%mul3A_2] : memref<16384xi32, #tpu.memory_space<hbm>> -> memref<512xi32, #tpu.memory_space<hbm>>
      %dma_start3A_343 = tpu.memref_slice %arg4[%mul3A_2] : memref<16384xi32, #tpu.memory_space<hbm>> -> memref<512xi32, #tpu.memory_space<hbm>>
      tpu.enqueue_dma source(%dma_start3A_343 : memref<512xi32, #tpu.memory_space<hbm>>) target(%arg13 : memref<512xi32, #tpu.memory_space<vmem>>) target_semaphore(%run_scoped3A : memref<!tpu.dma_semaphore, #tpu.memory_space<semaphore_mem>>)
      %dma_wait3A_344 = tpu.memref_slice %arg4[%mul3A_2] : memref<16384xi32, #tpu.memory_space<hbm>> -> memref<512xi32, #tpu.memory_space<hbm>>
      %dma_wait3A_345 = tpu.memref_slice %arg4[%mul3A_2] : memref<16384xi32, #tpu.memory_space<hbm>> -> memref<512xi32, #tpu.memory_space<hbm>>
      tpu.wait_dma2 semaphore(%run_scoped3A : memref<!tpu.dma_semaphore, #tpu.memory_space<semaphore_mem>>) src(%dma_wait3A_345 : memref<512xi32, #tpu.memory_space<hbm>>) dst(%arg13 : memref<512xi32, #tpu.memory_space<vmem>>)
      tpu.yield
    }) : () -> ()
    %dma_start3A = arith.constant 0 : i32
    %dma_start3A_3 = arith.constant 0 : i32
    %dma_start3A_4 = tpu.memref_slice %arg14[%dma_start3A, %dma_start3A_3] : memref<512x64xf32, #tpu.memory_space<vmem>> -> memref<128x64xf32, #tpu.memory_space<vmem>>
    %dma_start3A_5 = arith.constant 0 : i32
    %dma_start3A_6 = tpu.memref_slice %arg11[%dma_start3A_5] : memref<512xi32, #tpu.memory_space<vmem>> -> memref<128xi32, #tpu.memory_space<vmem>>
    %dma_start3A_7 = arith.constant 0 : i32
    %dma_start3A_8 = arith.constant 0 : i32
    %dma_start3A_9 = tpu.memref_slice %arg5[%dma_start3A_7, %dma_start3A_8] : memref<1000000x64xf32, #tpu.memory_space<hbm>> -> memref<1000000x64xf32, #tpu.memory_space<hbm>>
    tpu.enqueue_indirect_dma source(%dma_start3A_9 : memref<1000000x64xf32, #tpu.memory_space<hbm>>) target(%dma_start3A_4 : memref<128x64xf32, #tpu.memory_space<vmem>>) offsets(%dma_start3A_6 : memref<128xi32, #tpu.memory_space<vmem>>) semaphore(%arg22 : memref<!tpu.dma_semaphore, #tpu.memory_space<semaphore_mem>>)
    %dma_start3A_10 = arith.constant 0 : i32
    %dma_start3A_11 = arith.constant 0 : i32
    %dma_start3A_12 = tpu.memref_slice %arg15[%dma_start3A_10, %dma_start3A_11] : memref<512x64xf32, #tpu.memory_space<vmem>> -> memref<128x64xf32, #tpu.memory_space<vmem>>
    %dma_start3A_13 = arith.constant 0 : i32
    %dma_start3A_14 = tpu.memref_slice %arg12[%dma_start3A_13] : memref<512xi32, #tpu.memory_space<vmem>> -> memref<128xi32, #tpu.memory_space<vmem>>
    %dma_start3A_15 = arith.constant 0 : i32
    %dma_start3A_16 = arith.constant 0 : i32
    %dma_start3A_17 = tpu.memref_slice %arg6[%dma_start3A_15, %dma_start3A_16] : memref<1000000x64xf32, #tpu.memory_space<hbm>> -> memref<1000000x64xf32, #tpu.memory_space<hbm>>
    tpu.enqueue_indirect_dma source(%dma_start3A_17 : memref<1000000x64xf32, #tpu.memory_space<hbm>>) target(%dma_start3A_12 : memref<128x64xf32, #tpu.memory_space<vmem>>) offsets(%dma_start3A_14 : memref<128xi32, #tpu.memory_space<vmem>>) semaphore(%arg22 : memref<!tpu.dma_semaphore, #tpu.memory_space<semaphore_mem>>)
    %dma_start3A_18 = arith.constant 0 : i32
    %dma_start3A_19 = arith.constant 0 : i32
    %dma_start3A_20 = tpu.memref_slice %arg16[%dma_start3A_18, %dma_start3A_19] : memref<512x64xf32, #tpu.memory_space<vmem>> -> memref<128x64xf32, #tpu.memory_space<vmem>>
    %dma_start3A_21 = arith.constant 0 : i32
    %dma_start3A_22 = tpu.memref_slice %arg13[%dma_start3A_21] : memref<512xi32, #tpu.memory_space<vmem>> -> memref<128xi32, #tpu.memory_space<vmem>>
    %dma_start3A_23 = arith.constant 0 : i32
    %dma_start3A_24 = arith.constant 0 : i32
    %dma_start3A_25 = tpu.memref_slice %arg6[%dma_start3A_23, %dma_start3A_24] : memref<1000000x64xf32, #tpu.memory_space<hbm>> -> memref<1000000x64xf32, #tpu.memory_space<hbm>>
    tpu.enqueue_indirect_dma source(%dma_start3A_25 : memref<1000000x64xf32, #tpu.memory_space<hbm>>) target(%dma_start3A_20 : memref<128x64xf32, #tpu.memory_space<vmem>>) offsets(%dma_start3A_22 : memref<128xi32, #tpu.memory_space<vmem>>) semaphore(%arg22 : memref<!tpu.dma_semaphore, #tpu.memory_space<semaphore_mem>>)
    %dma_start3A_26 = arith.constant 0 : i32
    %dma_start3A_27 = tpu.memref_slice %arg17[%dma_start3A_26] : memref<512xf32, #tpu.memory_space<vmem>> -> memref<128xf32, #tpu.memory_space<vmem>>
    %dma_start3A_28 = arith.constant 0 : i32
    %dma_start3A_29 = tpu.memref_slice %arg11[%dma_start3A_28] : memref<512xi32, #tpu.memory_space<vmem>> -> memref<128xi32, #tpu.memory_space<vmem>>
    %dma_start3A_30 = arith.constant 0 : i32
    %dma_start3A_31 = tpu.memref_slice %arg7[%dma_start3A_30] : memref<1000000xf32, #tpu.memory_space<hbm>> -> memref<1000000xf32, #tpu.memory_space<hbm>>
    tpu.enqueue_indirect_dma source(%dma_start3A_31 : memref<1000000xf32, #tpu.memory_space<hbm>>) target(%dma_start3A_27 : memref<128xf32, #tpu.memory_space<vmem>>) offsets(%dma_start3A_29 : memref<128xi32, #tpu.memory_space<vmem>>) semaphore(%arg22 : memref<!tpu.dma_semaphore, #tpu.memory_space<semaphore_mem>>)
    %dma_start3A_32 = arith.constant 0 : i32
    %dma_start3A_33 = tpu.memref_slice %arg18[%dma_start3A_32] : memref<512xf32, #tpu.memory_space<vmem>> -> memref<128xf32, #tpu.memory_space<vmem>>
    %dma_start3A_34 = arith.constant 0 : i32
    %dma_start3A_35 = tpu.memref_slice %arg12[%dma_start3A_34] : memref<512xi32, #tpu.memory_space<vmem>> -> memref<128xi32, #tpu.memory_space<vmem>>
    %dma_start3A_36 = arith.constant 0 : i32
    %dma_start3A_37 = tpu.memref_slice %arg8[%dma_start3A_36] : memref<1000000xf32, #tpu.memory_space<hbm>> -> memref<1000000xf32, #tpu.memory_space<hbm>>
    tpu.enqueue_indirect_dma source(%dma_start3A_37 : memref<1000000xf32, #tpu.memory_space<hbm>>) target(%dma_start3A_33 : memref<128xf32, #tpu.memory_space<vmem>>) offsets(%dma_start3A_35 : memref<128xi32, #tpu.memory_space<vmem>>) semaphore(%arg22 : memref<!tpu.dma_semaphore, #tpu.memory_space<semaphore_mem>>)
    %dma_start3A_38 = arith.constant 0 : i32
    %dma_start3A_39 = tpu.memref_slice %arg19[%dma_start3A_38] : memref<512xf32, #tpu.memory_space<vmem>> -> memref<128xf32, #tpu.memory_space<vmem>>
    %dma_start3A_40 = arith.constant 0 : i32
    %dma_start3A_41 = tpu.memref_slice %arg13[%dma_start3A_40] : memref<512xi32, #tpu.memory_space<vmem>> -> memref<128xi32, #tpu.memory_space<vmem>>
    %dma_start3A_42 = arith.constant 0 : i32
    %dma_start3A_43 = tpu.memref_slice %arg8[%dma_start3A_42] : memref<1000000xf32, #tpu.memory_space<hbm>> -> memref<1000000xf32, #tpu.memory_space<hbm>>
    tpu.enqueue_indirect_dma source(%dma_start3A_43 : memref<1000000xf32, #tpu.memory_space<hbm>>) target(%dma_start3A_39 : memref<128xf32, #tpu.memory_space<vmem>>) offsets(%dma_start3A_41 : memref<128xi32, #tpu.memory_space<vmem>>) semaphore(%arg22 : memref<!tpu.dma_semaphore, #tpu.memory_space<semaphore_mem>>)
    %dma_start3A_44 = arith.constant 128 : i32
    %dma_start3A_45 = arith.constant 0 : i32
    %dma_start3A_46 = tpu.memref_slice %arg14[%dma_start3A_44, %dma_start3A_45] : memref<512x64xf32, #tpu.memory_space<vmem>> -> memref<128x64xf32, #tpu.memory_space<vmem>>
    %dma_start3A_47 = arith.constant 128 : i32
    %dma_start3A_48 = tpu.memref_slice %arg11[%dma_start3A_47] : memref<512xi32, #tpu.memory_space<vmem>> -> memref<128xi32, #tpu.memory_space<vmem>>
    %dma_start3A_49 = arith.constant 0 : i32
    %dma_start3A_50 = arith.constant 0 : i32
    %dma_start3A_51 = tpu.memref_slice %arg5[%dma_start3A_49, %dma_start3A_50] : memref<1000000x64xf32, #tpu.memory_space<hbm>> -> memref<1000000x64xf32, #tpu.memory_space<hbm>>
    tpu.enqueue_indirect_dma source(%dma_start3A_51 : memref<1000000x64xf32, #tpu.memory_space<hbm>>) target(%dma_start3A_46 : memref<128x64xf32, #tpu.memory_space<vmem>>) offsets(%dma_start3A_48 : memref<128xi32, #tpu.memory_space<vmem>>) semaphore(%arg22 : memref<!tpu.dma_semaphore, #tpu.memory_space<semaphore_mem>>)
    %dma_start3A_52 = arith.constant 128 : i32
    %dma_start3A_53 = arith.constant 0 : i32
    %dma_start3A_54 = tpu.memref_slice %arg15[%dma_start3A_52, %dma_start3A_53] : memref<512x64xf32, #tpu.memory_space<vmem>> -> memref<128x64xf32, #tpu.memory_space<vmem>>
    %dma_start3A_55 = arith.constant 128 : i32
    %dma_start3A_56 = tpu.memref_slice %arg12[%dma_start3A_55] : memref<512xi32, #tpu.memory_space<vmem>> -> memref<128xi32, #tpu.memory_space<vmem>>
    %dma_start3A_57 = arith.constant 0 : i32
    %dma_start3A_58 = arith.constant 0 : i32
    %dma_start3A_59 = tpu.memref_slice %arg6[%dma_start3A_57, %dma_start3A_58] : memref<1000000x64xf32, #tpu.memory_space<hbm>> -> memref<1000000x64xf32, #tpu.memory_space<hbm>>
    tpu.enqueue_indirect_dma source(%dma_start3A_59 : memref<1000000x64xf32, #tpu.memory_space<hbm>>) target(%dma_start3A_54 : memref<128x64xf32, #tpu.memory_space<vmem>>) offsets(%dma_start3A_56 : memref<128xi32, #tpu.memory_space<vmem>>) semaphore(%arg22 : memref<!tpu.dma_semaphore, #tpu.memory_space<semaphore_mem>>)
    %dma_start3A_60 = arith.constant 128 : i32
    %dma_start3A_61 = arith.constant 0 : i32
    %dma_start3A_62 = tpu.memref_slice %arg16[%dma_start3A_60, %dma_start3A_61] : memref<512x64xf32, #tpu.memory_space<vmem>> -> memref<128x64xf32, #tpu.memory_space<vmem>>
    %dma_start3A_63 = arith.constant 128 : i32
    %dma_start3A_64 = tpu.memref_slice %arg13[%dma_start3A_63] : memref<512xi32, #tpu.memory_space<vmem>> -> memref<128xi32, #tpu.memory_space<vmem>>
    %dma_start3A_65 = arith.constant 0 : i32
    %dma_start3A_66 = arith.constant 0 : i32
    %dma_start3A_67 = tpu.memref_slice %arg6[%dma_start3A_65, %dma_start3A_66] : memref<1000000x64xf32, #tpu.memory_space<hbm>> -> memref<1000000x64xf32, #tpu.memory_space<hbm>>
    tpu.enqueue_indirect_dma source(%dma_start3A_67 : memref<1000000x64xf32, #tpu.memory_space<hbm>>) target(%dma_start3A_62 : memref<128x64xf32, #tpu.memory_space<vmem>>) offsets(%dma_start3A_64 : memref<128xi32, #tpu.memory_space<vmem>>) semaphore(%arg22 : memref<!tpu.dma_semaphore, #tpu.memory_space<semaphore_mem>>)
    %dma_start3A_68 = arith.constant 128 : i32
    %dma_start3A_69 = tpu.memref_slice %arg17[%dma_start3A_68] : memref<512xf32, #tpu.memory_space<vmem>> -> memref<128xf32, #tpu.memory_space<vmem>>
    %dma_start3A_70 = arith.constant 128 : i32
    %dma_start3A_71 = tpu.memref_slice %arg11[%dma_start3A_70] : memref<512xi32, #tpu.memory_space<vmem>> -> memref<128xi32, #tpu.memory_space<vmem>>
    %dma_start3A_72 = arith.constant 0 : i32
    %dma_start3A_73 = tpu.memref_slice %arg7[%dma_start3A_72] : memref<1000000xf32, #tpu.memory_space<hbm>> -> memref<1000000xf32, #tpu.memory_space<hbm>>
    tpu.enqueue_indirect_dma source(%dma_start3A_73 : memref<1000000xf32, #tpu.memory_space<hbm>>) target(%dma_start3A_69 : memref<128xf32, #tpu.memory_space<vmem>>) offsets(%dma_start3A_71 : memref<128xi32, #tpu.memory_space<vmem>>) semaphore(%arg22 : memref<!tpu.dma_semaphore, #tpu.memory_space<semaphore_mem>>)
    %dma_start3A_74 = arith.constant 128 : i32
    %dma_start3A_75 = tpu.memref_slice %arg18[%dma_start3A_74] : memref<512xf32, #tpu.memory_space<vmem>> -> memref<128xf32, #tpu.memory_space<vmem>>
    %dma_start3A_76 = arith.constant 128 : i32
    %dma_start3A_77 = tpu.memref_slice %arg12[%dma_start3A_76] : memref<512xi32, #tpu.memory_space<vmem>> -> memref<128xi32, #tpu.memory_space<vmem>>
    %dma_start3A_78 = arith.constant 0 : i32
    %dma_start3A_79 = tpu.memref_slice %arg8[%dma_start3A_78] : memref<1000000xf32, #tpu.memory_space<hbm>> -> memref<1000000xf32, #tpu.memory_space<hbm>>
    tpu.enqueue_indirect_dma source(%dma_start3A_79 : memref<1000000xf32, #tpu.memory_space<hbm>>) target(%dma_start3A_75 : memref<128xf32, #tpu.memory_space<vmem>>) offsets(%dma_start3A_77 : memref<128xi32, #tpu.memory_space<vmem>>) semaphore(%arg22 : memref<!tpu.dma_semaphore, #tpu.memory_space<semaphore_mem>>)
    %dma_start3A_80 = arith.constant 128 : i32
    %dma_start3A_81 = tpu.memref_slice %arg19[%dma_start3A_80] : memref<512xf32, #tpu.memory_space<vmem>> -> memref<128xf32, #tpu.memory_space<vmem>>
    %dma_start3A_82 = arith.constant 128 : i32
    %dma_start3A_83 = tpu.memref_slice %arg13[%dma_start3A_82] : memref<512xi32, #tpu.memory_space<vmem>> -> memref<128xi32, #tpu.memory_space<vmem>>
    %dma_start3A_84 = arith.constant 0 : i32
    %dma_start3A_85 = tpu.memref_slice %arg8[%dma_start3A_84] : memref<1000000xf32, #tpu.memory_space<hbm>> -> memref<1000000xf32, #tpu.memory_space<hbm>>
    tpu.enqueue_indirect_dma source(%dma_start3A_85 : memref<1000000xf32, #tpu.memory_space<hbm>>) target(%dma_start3A_81 : memref<128xf32, #tpu.memory_space<vmem>>) offsets(%dma_start3A_83 : memref<128xi32, #tpu.memory_space<vmem>>) semaphore(%arg22 : memref<!tpu.dma_semaphore, #tpu.memory_space<semaphore_mem>>)
    %dma_start3A_86 = arith.constant 256 : i32
    %dma_start3A_87 = arith.constant 0 : i32
    %dma_start3A_88 = tpu.memref_slice %arg14[%dma_start3A_86, %dma_start3A_87] : memref<512x64xf32, #tpu.memory_space<vmem>> -> memref<128x64xf32, #tpu.memory_space<vmem>>
    %dma_start3A_89 = arith.constant 256 : i32
    %dma_start3A_90 = tpu.memref_slice %arg11[%dma_start3A_89] : memref<512xi32, #tpu.memory_space<vmem>> -> memref<128xi32, #tpu.memory_space<vmem>>
    %dma_start3A_91 = arith.constant 0 : i32
    %dma_start3A_92 = arith.constant 0 : i32
    %dma_start3A_93 = tpu.memref_slice %arg5[%dma_start3A_91, %dma_start3A_92] : memref<1000000x64xf32, #tpu.memory_space<hbm>> -> memref<1000000x64xf32, #tpu.memory_space<hbm>>
    tpu.enqueue_indirect_dma source(%dma_start3A_93 : memref<1000000x64xf32, #tpu.memory_space<hbm>>) target(%dma_start3A_88 : memref<128x64xf32, #tpu.memory_space<vmem>>) offsets(%dma_start3A_90 : memref<128xi32, #tpu.memory_space<vmem>>) semaphore(%arg22 : memref<!tpu.dma_semaphore, #tpu.memory_space<semaphore_mem>>)
    %dma_start3A_94 = arith.constant 256 : i32
    %dma_start3A_95 = arith.constant 0 : i32
    %dma_start3A_96 = tpu.memref_slice %arg15[%dma_start3A_94, %dma_start3A_95] : memref<512x64xf32, #tpu.memory_space<vmem>> -> memref<128x64xf32, #tpu.memory_space<vmem>>
    %dma_start3A_97 = arith.constant 256 : i32
    %dma_start3A_98 = tpu.memref_slice %arg12[%dma_start3A_97] : memref<512xi32, #tpu.memory_space<vmem>> -> memref<128xi32, #tpu.memory_space<vmem>>
    %dma_start3A_99 = arith.constant 0 : i32
    %dma_start3A_100 = arith.constant 0 : i32
    %dma_start3A_101 = tpu.memref_slice %arg6[%dma_start3A_99, %dma_start3A_100] : memref<1000000x64xf32, #tpu.memory_space<hbm>> -> memref<1000000x64xf32, #tpu.memory_space<hbm>>
    tpu.enqueue_indirect_dma source(%dma_start3A_101 : memref<1000000x64xf32, #tpu.memory_space<hbm>>) target(%dma_start3A_96 : memref<128x64xf32, #tpu.memory_space<vmem>>) offsets(%dma_start3A_98 : memref<128xi32, #tpu.memory_space<vmem>>) semaphore(%arg22 : memref<!tpu.dma_semaphore, #tpu.memory_space<semaphore_mem>>)
    %dma_start3A_102 = arith.constant 256 : i32
    %dma_start3A_103 = arith.constant 0 : i32
    %dma_start3A_104 = tpu.memref_slice %arg16[%dma_start3A_102, %dma_start3A_103] : memref<512x64xf32, #tpu.memory_space<vmem>> -> memref<128x64xf32, #tpu.memory_space<vmem>>
    %dma_start3A_105 = arith.constant 256 : i32
    %dma_start3A_106 = tpu.memref_slice %arg13[%dma_start3A_105] : memref<512xi32, #tpu.memory_space<vmem>> -> memref<128xi32, #tpu.memory_space<vmem>>
    %dma_start3A_107 = arith.constant 0 : i32
    %dma_start3A_108 = arith.constant 0 : i32
    %dma_start3A_109 = tpu.memref_slice %arg6[%dma_start3A_107, %dma_start3A_108] : memref<1000000x64xf32, #tpu.memory_space<hbm>> -> memref<1000000x64xf32, #tpu.memory_space<hbm>>
    tpu.enqueue_indirect_dma source(%dma_start3A_109 : memref<1000000x64xf32, #tpu.memory_space<hbm>>) target(%dma_start3A_104 : memref<128x64xf32, #tpu.memory_space<vmem>>) offsets(%dma_start3A_106 : memref<128xi32, #tpu.memory_space<vmem>>) semaphore(%arg22 : memref<!tpu.dma_semaphore, #tpu.memory_space<semaphore_mem>>)
    %dma_start3A_110 = arith.constant 256 : i32
    %dma_start3A_111 = tpu.memref_slice %arg17[%dma_start3A_110] : memref<512xf32, #tpu.memory_space<vmem>> -> memref<128xf32, #tpu.memory_space<vmem>>
    %dma_start3A_112 = arith.constant 256 : i32
    %dma_start3A_113 = tpu.memref_slice %arg11[%dma_start3A_112] : memref<512xi32, #tpu.memory_space<vmem>> -> memref<128xi32, #tpu.memory_space<vmem>>
    %dma_start3A_114 = arith.constant 0 : i32
    %dma_start3A_115 = tpu.memref_slice %arg7[%dma_start3A_114] : memref<1000000xf32, #tpu.memory_space<hbm>> -> memref<1000000xf32, #tpu.memory_space<hbm>>
    tpu.enqueue_indirect_dma source(%dma_start3A_115 : memref<1000000xf32, #tpu.memory_space<hbm>>) target(%dma_start3A_111 : memref<128xf32, #tpu.memory_space<vmem>>) offsets(%dma_start3A_113 : memref<128xi32, #tpu.memory_space<vmem>>) semaphore(%arg22 : memref<!tpu.dma_semaphore, #tpu.memory_space<semaphore_mem>>)
    %dma_start3A_116 = arith.constant 256 : i32
    %dma_start3A_117 = tpu.memref_slice %arg18[%dma_start3A_116] : memref<512xf32, #tpu.memory_space<vmem>> -> memref<128xf32, #tpu.memory_space<vmem>>
    %dma_start3A_118 = arith.constant 256 : i32
    %dma_start3A_119 = tpu.memref_slice %arg12[%dma_start3A_118] : memref<512xi32, #tpu.memory_space<vmem>> -> memref<128xi32, #tpu.memory_space<vmem>>
    %dma_start3A_120 = arith.constant 0 : i32
    %dma_start3A_121 = tpu.memref_slice %arg8[%dma_start3A_120] : memref<1000000xf32, #tpu.memory_space<hbm>> -> memref<1000000xf32, #tpu.memory_space<hbm>>
    tpu.enqueue_indirect_dma source(%dma_start3A_121 : memref<1000000xf32, #tpu.memory_space<hbm>>) target(%dma_start3A_117 : memref<128xf32, #tpu.memory_space<vmem>>) offsets(%dma_start3A_119 : memref<128xi32, #tpu.memory_space<vmem>>) semaphore(%arg22 : memref<!tpu.dma_semaphore, #tpu.memory_space<semaphore_mem>>)
    %dma_start3A_122 = arith.constant 256 : i32
    %dma_start3A_123 = tpu.memref_slice %arg19[%dma_start3A_122] : memref<512xf32, #tpu.memory_space<vmem>> -> memref<128xf32, #tpu.memory_space<vmem>>
    %dma_start3A_124 = arith.constant 256 : i32
    %dma_start3A_125 = tpu.memref_slice %arg13[%dma_start3A_124] : memref<512xi32, #tpu.memory_space<vmem>> -> memref<128xi32, #tpu.memory_space<vmem>>
    %dma_start3A_126 = arith.constant 0 : i32
    %dma_start3A_127 = tpu.memref_slice %arg8[%dma_start3A_126] : memref<1000000xf32, #tpu.memory_space<hbm>> -> memref<1000000xf32, #tpu.memory_space<hbm>>
    tpu.enqueue_indirect_dma source(%dma_start3A_127 : memref<1000000xf32, #tpu.memory_space<hbm>>) target(%dma_start3A_123 : memref<128xf32, #tpu.memory_space<vmem>>) offsets(%dma_start3A_125 : memref<128xi32, #tpu.memory_space<vmem>>) semaphore(%arg22 : memref<!tpu.dma_semaphore, #tpu.memory_space<semaphore_mem>>)
    %dma_start3A_128 = arith.constant 384 : i32
    %dma_start3A_129 = arith.constant 0 : i32
    %dma_start3A_130 = tpu.memref_slice %arg14[%dma_start3A_128, %dma_start3A_129] : memref<512x64xf32, #tpu.memory_space<vmem>> -> memref<128x64xf32, #tpu.memory_space<vmem>>
    %dma_start3A_131 = arith.constant 384 : i32
    %dma_start3A_132 = tpu.memref_slice %arg11[%dma_start3A_131] : memref<512xi32, #tpu.memory_space<vmem>> -> memref<128xi32, #tpu.memory_space<vmem>>
    %dma_start3A_133 = arith.constant 0 : i32
    %dma_start3A_134 = arith.constant 0 : i32
    %dma_start3A_135 = tpu.memref_slice %arg5[%dma_start3A_133, %dma_start3A_134] : memref<1000000x64xf32, #tpu.memory_space<hbm>> -> memref<1000000x64xf32, #tpu.memory_space<hbm>>
    tpu.enqueue_indirect_dma source(%dma_start3A_135 : memref<1000000x64xf32, #tpu.memory_space<hbm>>) target(%dma_start3A_130 : memref<128x64xf32, #tpu.memory_space<vmem>>) offsets(%dma_start3A_132 : memref<128xi32, #tpu.memory_space<vmem>>) semaphore(%arg22 : memref<!tpu.dma_semaphore, #tpu.memory_space<semaphore_mem>>)
    %dma_start3A_136 = arith.constant 384 : i32
    %dma_start3A_137 = arith.constant 0 : i32
    %dma_start3A_138 = tpu.memref_slice %arg15[%dma_start3A_136, %dma_start3A_137] : memref<512x64xf32, #tpu.memory_space<vmem>> -> memref<128x64xf32, #tpu.memory_space<vmem>>
    %dma_start3A_139 = arith.constant 384 : i32
    %dma_start3A_140 = tpu.memref_slice %arg12[%dma_start3A_139] : memref<512xi32, #tpu.memory_space<vmem>> -> memref<128xi32, #tpu.memory_space<vmem>>
    %dma_start3A_141 = arith.constant 0 : i32
    %dma_start3A_142 = arith.constant 0 : i32
    %dma_start3A_143 = tpu.memref_slice %arg6[%dma_start3A_141, %dma_start3A_142] : memref<1000000x64xf32, #tpu.memory_space<hbm>> -> memref<1000000x64xf32, #tpu.memory_space<hbm>>
    tpu.enqueue_indirect_dma source(%dma_start3A_143 : memref<1000000x64xf32, #tpu.memory_space<hbm>>) target(%dma_start3A_138 : memref<128x64xf32, #tpu.memory_space<vmem>>) offsets(%dma_start3A_140 : memref<128xi32, #tpu.memory_space<vmem>>) semaphore(%arg22 : memref<!tpu.dma_semaphore, #tpu.memory_space<semaphore_mem>>)
    %dma_start3A_144 = arith.constant 384 : i32
    %dma_start3A_145 = arith.constant 0 : i32
    %dma_start3A_146 = tpu.memref_slice %arg16[%dma_start3A_144, %dma_start3A_145] : memref<512x64xf32, #tpu.memory_space<vmem>> -> memref<128x64xf32, #tpu.memory_space<vmem>>
    %dma_start3A_147 = arith.constant 384 : i32
    %dma_start3A_148 = tpu.memref_slice %arg13[%dma_start3A_147] : memref<512xi32, #tpu.memory_space<vmem>> -> memref<128xi32, #tpu.memory_space<vmem>>
    %dma_start3A_149 = arith.constant 0 : i32
    %dma_start3A_150 = arith.constant 0 : i32
    %dma_start3A_151 = tpu.memref_slice %arg6[%dma_start3A_149, %dma_start3A_150] : memref<1000000x64xf32, #tpu.memory_space<hbm>> -> memref<1000000x64xf32, #tpu.memory_space<hbm>>
    tpu.enqueue_indirect_dma source(%dma_start3A_151 : memref<1000000x64xf32, #tpu.memory_space<hbm>>) target(%dma_start3A_146 : memref<128x64xf32, #tpu.memory_space<vmem>>) offsets(%dma_start3A_148 : memref<128xi32, #tpu.memory_space<vmem>>) semaphore(%arg22 : memref<!tpu.dma_semaphore, #tpu.memory_space<semaphore_mem>>)
    %dma_start3A_152 = arith.constant 384 : i32
    %dma_start3A_153 = tpu.memref_slice %arg17[%dma_start3A_152] : memref<512xf32, #tpu.memory_space<vmem>> -> memref<128xf32, #tpu.memory_space<vmem>>
    %dma_start3A_154 = arith.constant 384 : i32
    %dma_start3A_155 = tpu.memref_slice %arg11[%dma_start3A_154] : memref<512xi32, #tpu.memory_space<vmem>> -> memref<128xi32, #tpu.memory_space<vmem>>
    %dma_start3A_156 = arith.constant 0 : i32
    %dma_start3A_157 = tpu.memref_slice %arg7[%dma_start3A_156] : memref<1000000xf32, #tpu.memory_space<hbm>> -> memref<1000000xf32, #tpu.memory_space<hbm>>
    tpu.enqueue_indirect_dma source(%dma_start3A_157 : memref<1000000xf32, #tpu.memory_space<hbm>>) target(%dma_start3A_153 : memref<128xf32, #tpu.memory_space<vmem>>) offsets(%dma_start3A_155 : memref<128xi32, #tpu.memory_space<vmem>>) semaphore(%arg22 : memref<!tpu.dma_semaphore, #tpu.memory_space<semaphore_mem>>)
    %dma_start3A_158 = arith.constant 384 : i32
    %dma_start3A_159 = tpu.memref_slice %arg18[%dma_start3A_158] : memref<512xf32, #tpu.memory_space<vmem>> -> memref<128xf32, #tpu.memory_space<vmem>>
    %dma_start3A_160 = arith.constant 384 : i32
    %dma_start3A_161 = tpu.memref_slice %arg12[%dma_start3A_160] : memref<512xi32, #tpu.memory_space<vmem>> -> memref<128xi32, #tpu.memory_space<vmem>>
    %dma_start3A_162 = arith.constant 0 : i32
    %dma_start3A_163 = tpu.memref_slice %arg8[%dma_start3A_162] : memref<1000000xf32, #tpu.memory_space<hbm>> -> memref<1000000xf32, #tpu.memory_space<hbm>>
    tpu.enqueue_indirect_dma source(%dma_start3A_163 : memref<1000000xf32, #tpu.memory_space<hbm>>) target(%dma_start3A_159 : memref<128xf32, #tpu.memory_space<vmem>>) offsets(%dma_start3A_161 : memref<128xi32, #tpu.memory_space<vmem>>) semaphore(%arg22 : memref<!tpu.dma_semaphore, #tpu.memory_space<semaphore_mem>>)
    %dma_start3A_164 = arith.constant 384 : i32
    %dma_start3A_165 = tpu.memref_slice %arg19[%dma_start3A_164] : memref<512xf32, #tpu.memory_space<vmem>> -> memref<128xf32, #tpu.memory_space<vmem>>
    %dma_start3A_166 = arith.constant 384 : i32
    %dma_start3A_167 = tpu.memref_slice %arg13[%dma_start3A_166] : memref<512xi32, #tpu.memory_space<vmem>> -> memref<128xi32, #tpu.memory_space<vmem>>
    %dma_start3A_168 = arith.constant 0 : i32
    %dma_start3A_169 = tpu.memref_slice %arg8[%dma_start3A_168] : memref<1000000xf32, #tpu.memory_space<hbm>> -> memref<1000000xf32, #tpu.memory_space<hbm>>
    tpu.enqueue_indirect_dma source(%dma_start3A_169 : memref<1000000xf32, #tpu.memory_space<hbm>>) target(%dma_start3A_165 : memref<128xf32, #tpu.memory_space<vmem>>) offsets(%dma_start3A_167 : memref<128xi32, #tpu.memory_space<vmem>>) semaphore(%arg22 : memref<!tpu.dma_semaphore, #tpu.memory_space<semaphore_mem>>)
    %dma_wait3A = arith.constant 0 : i32
    %dma_wait3A_170 = arith.constant 0 : i32
    %dma_wait3A_171 = tpu.memref_slice %arg14[%dma_wait3A, %dma_wait3A_170] : memref<512x64xf32, #tpu.memory_space<vmem>> -> memref<128x64xf32, #tpu.memory_space<vmem>>
    %dma_wait3A_172 = arith.constant 0 : i32
    %dma_wait3A_173 = tpu.memref_slice %arg11[%dma_wait3A_172] : memref<512xi32, #tpu.memory_space<vmem>> -> memref<128xi32, #tpu.memory_space<vmem>>
    %dma_wait3A_174 = arith.constant 0 : i32
    %dma_wait3A_175 = arith.constant 0 : i32
    %dma_wait3A_176 = tpu.memref_slice %arg5[%dma_wait3A_174, %dma_wait3A_175] : memref<1000000x64xf32, #tpu.memory_space<hbm>> -> memref<1000000x64xf32, #tpu.memory_space<hbm>>
    tpu.wait_indirect_dma semaphore(%arg22 : memref<!tpu.dma_semaphore, #tpu.memory_space<semaphore_mem>>) src(%dma_wait3A_176 : memref<1000000x64xf32, #tpu.memory_space<hbm>>) dst(%dma_wait3A_171 : memref<128x64xf32, #tpu.memory_space<vmem>>)
    %dma_wait3A_177 = arith.constant 0 : i32
    %dma_wait3A_178 = arith.constant 0 : i32
    %dma_wait3A_179 = tpu.memref_slice %arg15[%dma_wait3A_177, %dma_wait3A_178] : memref<512x64xf32, #tpu.memory_space<vmem>> -> memref<128x64xf32, #tpu.memory_space<vmem>>
    %dma_wait3A_180 = arith.constant 0 : i32
    %dma_wait3A_181 = tpu.memref_slice %arg12[%dma_wait3A_180] : memref<512xi32, #tpu.memory_space<vmem>> -> memref<128xi32, #tpu.memory_space<vmem>>
    %dma_wait3A_182 = arith.constant 0 : i32
    %dma_wait3A_183 = arith.constant 0 : i32
    %dma_wait3A_184 = tpu.memref_slice %arg6[%dma_wait3A_182, %dma_wait3A_183] : memref<1000000x64xf32, #tpu.memory_space<hbm>> -> memref<1000000x64xf32, #tpu.memory_space<hbm>>
    tpu.wait_indirect_dma semaphore(%arg22 : memref<!tpu.dma_semaphore, #tpu.memory_space<semaphore_mem>>) src(%dma_wait3A_184 : memref<1000000x64xf32, #tpu.memory_space<hbm>>) dst(%dma_wait3A_179 : memref<128x64xf32, #tpu.memory_space<vmem>>)
    %dma_wait3A_185 = arith.constant 0 : i32
    %dma_wait3A_186 = arith.constant 0 : i32
    %dma_wait3A_187 = tpu.memref_slice %arg16[%dma_wait3A_185, %dma_wait3A_186] : memref<512x64xf32, #tpu.memory_space<vmem>> -> memref<128x64xf32, #tpu.memory_space<vmem>>
    %dma_wait3A_188 = arith.constant 0 : i32
    %dma_wait3A_189 = tpu.memref_slice %arg13[%dma_wait3A_188] : memref<512xi32, #tpu.memory_space<vmem>> -> memref<128xi32, #tpu.memory_space<vmem>>
    %dma_wait3A_190 = arith.constant 0 : i32
    %dma_wait3A_191 = arith.constant 0 : i32
    %dma_wait3A_192 = tpu.memref_slice %arg6[%dma_wait3A_190, %dma_wait3A_191] : memref<1000000x64xf32, #tpu.memory_space<hbm>> -> memref<1000000x64xf32, #tpu.memory_space<hbm>>
    tpu.wait_indirect_dma semaphore(%arg22 : memref<!tpu.dma_semaphore, #tpu.memory_space<semaphore_mem>>) src(%dma_wait3A_192 : memref<1000000x64xf32, #tpu.memory_space<hbm>>) dst(%dma_wait3A_187 : memref<128x64xf32, #tpu.memory_space<vmem>>)
    %dma_wait3A_193 = arith.constant 0 : i32
    %dma_wait3A_194 = tpu.memref_slice %arg17[%dma_wait3A_193] : memref<512xf32, #tpu.memory_space<vmem>> -> memref<128xf32, #tpu.memory_space<vmem>>
    %dma_wait3A_195 = arith.constant 0 : i32
    %dma_wait3A_196 = tpu.memref_slice %arg11[%dma_wait3A_195] : memref<512xi32, #tpu.memory_space<vmem>> -> memref<128xi32, #tpu.memory_space<vmem>>
    %dma_wait3A_197 = arith.constant 0 : i32
    %dma_wait3A_198 = tpu.memref_slice %arg7[%dma_wait3A_197] : memref<1000000xf32, #tpu.memory_space<hbm>> -> memref<1000000xf32, #tpu.memory_space<hbm>>
    tpu.wait_indirect_dma semaphore(%arg22 : memref<!tpu.dma_semaphore, #tpu.memory_space<semaphore_mem>>) src(%dma_wait3A_198 : memref<1000000xf32, #tpu.memory_space<hbm>>) dst(%dma_wait3A_194 : memref<128xf32, #tpu.memory_space<vmem>>)
    %dma_wait3A_199 = arith.constant 0 : i32
    %dma_wait3A_200 = tpu.memref_slice %arg18[%dma_wait3A_199] : memref<512xf32, #tpu.memory_space<vmem>> -> memref<128xf32, #tpu.memory_space<vmem>>
    %dma_wait3A_201 = arith.constant 0 : i32
    %dma_wait3A_202 = tpu.memref_slice %arg12[%dma_wait3A_201] : memref<512xi32, #tpu.memory_space<vmem>> -> memref<128xi32, #tpu.memory_space<vmem>>
    %dma_wait3A_203 = arith.constant 0 : i32
    %dma_wait3A_204 = tpu.memref_slice %arg8[%dma_wait3A_203] : memref<1000000xf32, #tpu.memory_space<hbm>> -> memref<1000000xf32, #tpu.memory_space<hbm>>
    tpu.wait_indirect_dma semaphore(%arg22 : memref<!tpu.dma_semaphore, #tpu.memory_space<semaphore_mem>>) src(%dma_wait3A_204 : memref<1000000xf32, #tpu.memory_space<hbm>>) dst(%dma_wait3A_200 : memref<128xf32, #tpu.memory_space<vmem>>)
    %dma_wait3A_205 = arith.constant 0 : i32
    %dma_wait3A_206 = tpu.memref_slice %arg19[%dma_wait3A_205] : memref<512xf32, #tpu.memory_space<vmem>> -> memref<128xf32, #tpu.memory_space<vmem>>
    %dma_wait3A_207 = arith.constant 0 : i32
    %dma_wait3A_208 = tpu.memref_slice %arg13[%dma_wait3A_207] : memref<512xi32, #tpu.memory_space<vmem>> -> memref<128xi32, #tpu.memory_space<vmem>>
    %dma_wait3A_209 = arith.constant 0 : i32
    %dma_wait3A_210 = tpu.memref_slice %arg8[%dma_wait3A_209] : memref<1000000xf32, #tpu.memory_space<hbm>> -> memref<1000000xf32, #tpu.memory_space<hbm>>
    tpu.wait_indirect_dma semaphore(%arg22 : memref<!tpu.dma_semaphore, #tpu.memory_space<semaphore_mem>>) src(%dma_wait3A_210 : memref<1000000xf32, #tpu.memory_space<hbm>>) dst(%dma_wait3A_206 : memref<128xf32, #tpu.memory_space<vmem>>)
    %dma_wait3A_211 = arith.constant 128 : i32
    %dma_wait3A_212 = arith.constant 0 : i32
    %dma_wait3A_213 = tpu.memref_slice %arg14[%dma_wait3A_211, %dma_wait3A_212] : memref<512x64xf32, #tpu.memory_space<vmem>> -> memref<128x64xf32, #tpu.memory_space<vmem>>
    %dma_wait3A_214 = arith.constant 128 : i32
    %dma_wait3A_215 = tpu.memref_slice %arg11[%dma_wait3A_214] : memref<512xi32, #tpu.memory_space<vmem>> -> memref<128xi32, #tpu.memory_space<vmem>>
    %dma_wait3A_216 = arith.constant 0 : i32
    %dma_wait3A_217 = arith.constant 0 : i32
    %dma_wait3A_218 = tpu.memref_slice %arg5[%dma_wait3A_216, %dma_wait3A_217] : memref<1000000x64xf32, #tpu.memory_space<hbm>> -> memref<1000000x64xf32, #tpu.memory_space<hbm>>
    tpu.wait_indirect_dma semaphore(%arg22 : memref<!tpu.dma_semaphore, #tpu.memory_space<semaphore_mem>>) src(%dma_wait3A_218 : memref<1000000x64xf32, #tpu.memory_space<hbm>>) dst(%dma_wait3A_213 : memref<128x64xf32, #tpu.memory_space<vmem>>)
    %dma_wait3A_219 = arith.constant 128 : i32
    %dma_wait3A_220 = arith.constant 0 : i32
    %dma_wait3A_221 = tpu.memref_slice %arg15[%dma_wait3A_219, %dma_wait3A_220] : memref<512x64xf32, #tpu.memory_space<vmem>> -> memref<128x64xf32, #tpu.memory_space<vmem>>
    %dma_wait3A_222 = arith.constant 128 : i32
    %dma_wait3A_223 = tpu.memref_slice %arg12[%dma_wait3A_222] : memref<512xi32, #tpu.memory_space<vmem>> -> memref<128xi32, #tpu.memory_space<vmem>>
    %dma_wait3A_224 = arith.constant 0 : i32
    %dma_wait3A_225 = arith.constant 0 : i32
    %dma_wait3A_226 = tpu.memref_slice %arg6[%dma_wait3A_224, %dma_wait3A_225] : memref<1000000x64xf32, #tpu.memory_space<hbm>> -> memref<1000000x64xf32, #tpu.memory_space<hbm>>
    tpu.wait_indirect_dma semaphore(%arg22 : memref<!tpu.dma_semaphore, #tpu.memory_space<semaphore_mem>>) src(%dma_wait3A_226 : memref<1000000x64xf32, #tpu.memory_space<hbm>>) dst(%dma_wait3A_221 : memref<128x64xf32, #tpu.memory_space<vmem>>)
    %dma_wait3A_227 = arith.constant 128 : i32
    %dma_wait3A_228 = arith.constant 0 : i32
    %dma_wait3A_229 = tpu.memref_slice %arg16[%dma_wait3A_227, %dma_wait3A_228] : memref<512x64xf32, #tpu.memory_space<vmem>> -> memref<128x64xf32, #tpu.memory_space<vmem>>
    %dma_wait3A_230 = arith.constant 128 : i32
    %dma_wait3A_231 = tpu.memref_slice %arg13[%dma_wait3A_230] : memref<512xi32, #tpu.memory_space<vmem>> -> memref<128xi32, #tpu.memory_space<vmem>>
    %dma_wait3A_232 = arith.constant 0 : i32
    %dma_wait3A_233 = arith.constant 0 : i32
    %dma_wait3A_234 = tpu.memref_slice %arg6[%dma_wait3A_232, %dma_wait3A_233] : memref<1000000x64xf32, #tpu.memory_space<hbm>> -> memref<1000000x64xf32, #tpu.memory_space<hbm>>
    tpu.wait_indirect_dma semaphore(%arg22 : memref<!tpu.dma_semaphore, #tpu.memory_space<semaphore_mem>>) src(%dma_wait3A_234 : memref<1000000x64xf32, #tpu.memory_space<hbm>>) dst(%dma_wait3A_229 : memref<128x64xf32, #tpu.memory_space<vmem>>)
    %dma_wait3A_235 = arith.constant 128 : i32
    %dma_wait3A_236 = tpu.memref_slice %arg17[%dma_wait3A_235] : memref<512xf32, #tpu.memory_space<vmem>> -> memref<128xf32, #tpu.memory_space<vmem>>
    %dma_wait3A_237 = arith.constant 128 : i32
    %dma_wait3A_238 = tpu.memref_slice %arg11[%dma_wait3A_237] : memref<512xi32, #tpu.memory_space<vmem>> -> memref<128xi32, #tpu.memory_space<vmem>>
    %dma_wait3A_239 = arith.constant 0 : i32
    %dma_wait3A_240 = tpu.memref_slice %arg7[%dma_wait3A_239] : memref<1000000xf32, #tpu.memory_space<hbm>> -> memref<1000000xf32, #tpu.memory_space<hbm>>
    tpu.wait_indirect_dma semaphore(%arg22 : memref<!tpu.dma_semaphore, #tpu.memory_space<semaphore_mem>>) src(%dma_wait3A_240 : memref<1000000xf32, #tpu.memory_space<hbm>>) dst(%dma_wait3A_236 : memref<128xf32, #tpu.memory_space<vmem>>)
    %dma_wait3A_241 = arith.constant 128 : i32
    %dma_wait3A_242 = tpu.memref_slice %arg18[%dma_wait3A_241] : memref<512xf32, #tpu.memory_space<vmem>> -> memref<128xf32, #tpu.memory_space<vmem>>
    %dma_wait3A_243 = arith.constant 128 : i32
    %dma_wait3A_244 = tpu.memref_slice %arg12[%dma_wait3A_243] : memref<512xi32, #tpu.memory_space<vmem>> -> memref<128xi32, #tpu.memory_space<vmem>>
    %dma_wait3A_245 = arith.constant 0 : i32
    %dma_wait3A_246 = tpu.memref_slice %arg8[%dma_wait3A_245] : memref<1000000xf32, #tpu.memory_space<hbm>> -> memref<1000000xf32, #tpu.memory_space<hbm>>
    tpu.wait_indirect_dma semaphore(%arg22 : memref<!tpu.dma_semaphore, #tpu.memory_space<semaphore_mem>>) src(%dma_wait3A_246 : memref<1000000xf32, #tpu.memory_space<hbm>>) dst(%dma_wait3A_242 : memref<128xf32, #tpu.memory_space<vmem>>)
    %dma_wait3A_247 = arith.constant 128 : i32
    %dma_wait3A_248 = tpu.memref_slice %arg19[%dma_wait3A_247] : memref<512xf32, #tpu.memory_space<vmem>> -> memref<128xf32, #tpu.memory_space<vmem>>
    %dma_wait3A_249 = arith.constant 128 : i32
    %dma_wait3A_250 = tpu.memref_slice %arg13[%dma_wait3A_249] : memref<512xi32, #tpu.memory_space<vmem>> -> memref<128xi32, #tpu.memory_space<vmem>>
    %dma_wait3A_251 = arith.constant 0 : i32
    %dma_wait3A_252 = tpu.memref_slice %arg8[%dma_wait3A_251] : memref<1000000xf32, #tpu.memory_space<hbm>> -> memref<1000000xf32, #tpu.memory_space<hbm>>
    tpu.wait_indirect_dma semaphore(%arg22 : memref<!tpu.dma_semaphore, #tpu.memory_space<semaphore_mem>>) src(%dma_wait3A_252 : memref<1000000xf32, #tpu.memory_space<hbm>>) dst(%dma_wait3A_248 : memref<128xf32, #tpu.memory_space<vmem>>)
    %dma_wait3A_253 = arith.constant 256 : i32
    %dma_wait3A_254 = arith.constant 0 : i32
    %dma_wait3A_255 = tpu.memref_slice %arg14[%dma_wait3A_253, %dma_wait3A_254] : memref<512x64xf32, #tpu.memory_space<vmem>> -> memref<128x64xf32, #tpu.memory_space<vmem>>
    %dma_wait3A_256 = arith.constant 256 : i32
    %dma_wait3A_257 = tpu.memref_slice %arg11[%dma_wait3A_256] : memref<512xi32, #tpu.memory_space<vmem>> -> memref<128xi32, #tpu.memory_space<vmem>>
    %dma_wait3A_258 = arith.constant 0 : i32
    %dma_wait3A_259 = arith.constant 0 : i32
    %dma_wait3A_260 = tpu.memref_slice %arg5[%dma_wait3A_258, %dma_wait3A_259] : memref<1000000x64xf32, #tpu.memory_space<hbm>> -> memref<1000000x64xf32, #tpu.memory_space<hbm>>
    tpu.wait_indirect_dma semaphore(%arg22 : memref<!tpu.dma_semaphore, #tpu.memory_space<semaphore_mem>>) src(%dma_wait3A_260 : memref<1000000x64xf32, #tpu.memory_space<hbm>>) dst(%dma_wait3A_255 : memref<128x64xf32, #tpu.memory_space<vmem>>)
    %dma_wait3A_261 = arith.constant 256 : i32
    %dma_wait3A_262 = arith.constant 0 : i32
    %dma_wait3A_263 = tpu.memref_slice %arg15[%dma_wait3A_261, %dma_wait3A_262] : memref<512x64xf32, #tpu.memory_space<vmem>> -> memref<128x64xf32, #tpu.memory_space<vmem>>
    %dma_wait3A_264 = arith.constant 256 : i32
    %dma_wait3A_265 = tpu.memref_slice %arg12[%dma_wait3A_264] : memref<512xi32, #tpu.memory_space<vmem>> -> memref<128xi32, #tpu.memory_space<vmem>>
    %dma_wait3A_266 = arith.constant 0 : i32
    %dma_wait3A_267 = arith.constant 0 : i32
    %dma_wait3A_268 = tpu.memref_slice %arg6[%dma_wait3A_266, %dma_wait3A_267] : memref<1000000x64xf32, #tpu.memory_space<hbm>> -> memref<1000000x64xf32, #tpu.memory_space<hbm>>
    tpu.wait_indirect_dma semaphore(%arg22 : memref<!tpu.dma_semaphore, #tpu.memory_space<semaphore_mem>>) src(%dma_wait3A_268 : memref<1000000x64xf32, #tpu.memory_space<hbm>>) dst(%dma_wait3A_263 : memref<128x64xf32, #tpu.memory_space<vmem>>)
    %dma_wait3A_269 = arith.constant 256 : i32
    %dma_wait3A_270 = arith.constant 0 : i32
    %dma_wait3A_271 = tpu.memref_slice %arg16[%dma_wait3A_269, %dma_wait3A_270] : memref<512x64xf32, #tpu.memory_space<vmem>> -> memref<128x64xf32, #tpu.memory_space<vmem>>
    %dma_wait3A_272 = arith.constant 256 : i32
    %dma_wait3A_273 = tpu.memref_slice %arg13[%dma_wait3A_272] : memref<512xi32, #tpu.memory_space<vmem>> -> memref<128xi32, #tpu.memory_space<vmem>>
    %dma_wait3A_274 = arith.constant 0 : i32
    %dma_wait3A_275 = arith.constant 0 : i32
    %dma_wait3A_276 = tpu.memref_slice %arg6[%dma_wait3A_274, %dma_wait3A_275] : memref<1000000x64xf32, #tpu.memory_space<hbm>> -> memref<1000000x64xf32, #tpu.memory_space<hbm>>
    tpu.wait_indirect_dma semaphore(%arg22 : memref<!tpu.dma_semaphore, #tpu.memory_space<semaphore_mem>>) src(%dma_wait3A_276 : memref<1000000x64xf32, #tpu.memory_space<hbm>>) dst(%dma_wait3A_271 : memref<128x64xf32, #tpu.memory_space<vmem>>)
    %dma_wait3A_277 = arith.constant 256 : i32
    %dma_wait3A_278 = tpu.memref_slice %arg17[%dma_wait3A_277] : memref<512xf32, #tpu.memory_space<vmem>> -> memref<128xf32, #tpu.memory_space<vmem>>
    %dma_wait3A_279 = arith.constant 256 : i32
    %dma_wait3A_280 = tpu.memref_slice %arg11[%dma_wait3A_279] : memref<512xi32, #tpu.memory_space<vmem>> -> memref<128xi32, #tpu.memory_space<vmem>>
    %dma_wait3A_281 = arith.constant 0 : i32
    %dma_wait3A_282 = tpu.memref_slice %arg7[%dma_wait3A_281] : memref<1000000xf32, #tpu.memory_space<hbm>> -> memref<1000000xf32, #tpu.memory_space<hbm>>
    tpu.wait_indirect_dma semaphore(%arg22 : memref<!tpu.dma_semaphore, #tpu.memory_space<semaphore_mem>>) src(%dma_wait3A_282 : memref<1000000xf32, #tpu.memory_space<hbm>>) dst(%dma_wait3A_278 : memref<128xf32, #tpu.memory_space<vmem>>)
    %dma_wait3A_283 = arith.constant 256 : i32
    %dma_wait3A_284 = tpu.memref_slice %arg18[%dma_wait3A_283] : memref<512xf32, #tpu.memory_space<vmem>> -> memref<128xf32, #tpu.memory_space<vmem>>
    %dma_wait3A_285 = arith.constant 256 : i32
    %dma_wait3A_286 = tpu.memref_slice %arg12[%dma_wait3A_285] : memref<512xi32, #tpu.memory_space<vmem>> -> memref<128xi32, #tpu.memory_space<vmem>>
    %dma_wait3A_287 = arith.constant 0 : i32
    %dma_wait3A_288 = tpu.memref_slice %arg8[%dma_wait3A_287] : memref<1000000xf32, #tpu.memory_space<hbm>> -> memref<1000000xf32, #tpu.memory_space<hbm>>
    tpu.wait_indirect_dma semaphore(%arg22 : memref<!tpu.dma_semaphore, #tpu.memory_space<semaphore_mem>>) src(%dma_wait3A_288 : memref<1000000xf32, #tpu.memory_space<hbm>>) dst(%dma_wait3A_284 : memref<128xf32, #tpu.memory_space<vmem>>)
    %dma_wait3A_289 = arith.constant 256 : i32
    %dma_wait3A_290 = tpu.memref_slice %arg19[%dma_wait3A_289] : memref<512xf32, #tpu.memory_space<vmem>> -> memref<128xf32, #tpu.memory_space<vmem>>
    %dma_wait3A_291 = arith.constant 256 : i32
    %dma_wait3A_292 = tpu.memref_slice %arg13[%dma_wait3A_291] : memref<512xi32, #tpu.memory_space<vmem>> -> memref<128xi32, #tpu.memory_space<vmem>>
    %dma_wait3A_293 = arith.constant 0 : i32
    %dma_wait3A_294 = tpu.memref_slice %arg8[%dma_wait3A_293] : memref<1000000xf32, #tpu.memory_space<hbm>> -> memref<1000000xf32, #tpu.memory_space<hbm>>
    tpu.wait_indirect_dma semaphore(%arg22 : memref<!tpu.dma_semaphore, #tpu.memory_space<semaphore_mem>>) src(%dma_wait3A_294 : memref<1000000xf32, #tpu.memory_space<hbm>>) dst(%dma_wait3A_290 : memref<128xf32, #tpu.memory_space<vmem>>)
    %dma_wait3A_295 = arith.constant 384 : i32
    %dma_wait3A_296 = arith.constant 0 : i32
    %dma_wait3A_297 = tpu.memref_slice %arg14[%dma_wait3A_295, %dma_wait3A_296] : memref<512x64xf32, #tpu.memory_space<vmem>> -> memref<128x64xf32, #tpu.memory_space<vmem>>
    %dma_wait3A_298 = arith.constant 384 : i32
    %dma_wait3A_299 = tpu.memref_slice %arg11[%dma_wait3A_298] : memref<512xi32, #tpu.memory_space<vmem>> -> memref<128xi32, #tpu.memory_space<vmem>>
    %dma_wait3A_300 = arith.constant 0 : i32
    %dma_wait3A_301 = arith.constant 0 : i32
    %dma_wait3A_302 = tpu.memref_slice %arg5[%dma_wait3A_300, %dma_wait3A_301] : memref<1000000x64xf32, #tpu.memory_space<hbm>> -> memref<1000000x64xf32, #tpu.memory_space<hbm>>
    tpu.wait_indirect_dma semaphore(%arg22 : memref<!tpu.dma_semaphore, #tpu.memory_space<semaphore_mem>>) src(%dma_wait3A_302 : memref<1000000x64xf32, #tpu.memory_space<hbm>>) dst(%dma_wait3A_297 : memref<128x64xf32, #tpu.memory_space<vmem>>)
    %dma_wait3A_303 = arith.constant 384 : i32
    %dma_wait3A_304 = arith.constant 0 : i32
    %dma_wait3A_305 = tpu.memref_slice %arg15[%dma_wait3A_303, %dma_wait3A_304] : memref<512x64xf32, #tpu.memory_space<vmem>> -> memref<128x64xf32, #tpu.memory_space<vmem>>
    %dma_wait3A_306 = arith.constant 384 : i32
    %dma_wait3A_307 = tpu.memref_slice %arg12[%dma_wait3A_306] : memref<512xi32, #tpu.memory_space<vmem>> -> memref<128xi32, #tpu.memory_space<vmem>>
    %dma_wait3A_308 = arith.constant 0 : i32
    %dma_wait3A_309 = arith.constant 0 : i32
    %dma_wait3A_310 = tpu.memref_slice %arg6[%dma_wait3A_308, %dma_wait3A_309] : memref<1000000x64xf32, #tpu.memory_space<hbm>> -> memref<1000000x64xf32, #tpu.memory_space<hbm>>
    tpu.wait_indirect_dma semaphore(%arg22 : memref<!tpu.dma_semaphore, #tpu.memory_space<semaphore_mem>>) src(%dma_wait3A_310 : memref<1000000x64xf32, #tpu.memory_space<hbm>>) dst(%dma_wait3A_305 : memref<128x64xf32, #tpu.memory_space<vmem>>)
    %dma_wait3A_311 = arith.constant 384 : i32
    %dma_wait3A_312 = arith.constant 0 : i32
    %dma_wait3A_313 = tpu.memref_slice %arg16[%dma_wait3A_311, %dma_wait3A_312] : memref<512x64xf32, #tpu.memory_space<vmem>> -> memref<128x64xf32, #tpu.memory_space<vmem>>
    %dma_wait3A_314 = arith.constant 384 : i32
    %dma_wait3A_315 = tpu.memref_slice %arg13[%dma_wait3A_314] : memref<512xi32, #tpu.memory_space<vmem>> -> memref<128xi32, #tpu.memory_space<vmem>>
    %dma_wait3A_316 = arith.constant 0 : i32
    %dma_wait3A_317 = arith.constant 0 : i32
    %dma_wait3A_318 = tpu.memref_slice %arg6[%dma_wait3A_316, %dma_wait3A_317] : memref<1000000x64xf32, #tpu.memory_space<hbm>> -> memref<1000000x64xf32, #tpu.memory_space<hbm>>
    tpu.wait_indirect_dma semaphore(%arg22 : memref<!tpu.dma_semaphore, #tpu.memory_space<semaphore_mem>>) src(%dma_wait3A_318 : memref<1000000x64xf32, #tpu.memory_space<hbm>>) dst(%dma_wait3A_313 : memref<128x64xf32, #tpu.memory_space<vmem>>)
    %dma_wait3A_319 = arith.constant 384 : i32
    %dma_wait3A_320 = tpu.memref_slice %arg17[%dma_wait3A_319] : memref<512xf32, #tpu.memory_space<vmem>> -> memref<128xf32, #tpu.memory_space<vmem>>
    %dma_wait3A_321 = arith.constant 384 : i32
    %dma_wait3A_322 = tpu.memref_slice %arg11[%dma_wait3A_321] : memref<512xi32, #tpu.memory_space<vmem>> -> memref<128xi32, #tpu.memory_space<vmem>>
    %dma_wait3A_323 = arith.constant 0 : i32
    %dma_wait3A_324 = tpu.memref_slice %arg7[%dma_wait3A_323] : memref<1000000xf32, #tpu.memory_space<hbm>> -> memref<1000000xf32, #tpu.memory_space<hbm>>
    tpu.wait_indirect_dma semaphore(%arg22 : memref<!tpu.dma_semaphore, #tpu.memory_space<semaphore_mem>>) src(%dma_wait3A_324 : memref<1000000xf32, #tpu.memory_space<hbm>>) dst(%dma_wait3A_320 : memref<128xf32, #tpu.memory_space<vmem>>)
    %dma_wait3A_325 = arith.constant 384 : i32
    %dma_wait3A_326 = tpu.memref_slice %arg18[%dma_wait3A_325] : memref<512xf32, #tpu.memory_space<vmem>> -> memref<128xf32, #tpu.memory_space<vmem>>
    %dma_wait3A_327 = arith.constant 384 : i32
    %dma_wait3A_328 = tpu.memref_slice %arg12[%dma_wait3A_327] : memref<512xi32, #tpu.memory_space<vmem>> -> memref<128xi32, #tpu.memory_space<vmem>>
    %dma_wait3A_329 = arith.constant 0 : i32
    %dma_wait3A_330 = tpu.memref_slice %arg8[%dma_wait3A_329] : memref<1000000xf32, #tpu.memory_space<hbm>> -> memref<1000000xf32, #tpu.memory_space<hbm>>
    tpu.wait_indirect_dma semaphore(%arg22 : memref<!tpu.dma_semaphore, #tpu.memory_space<semaphore_mem>>) src(%dma_wait3A_330 : memref<1000000xf32, #tpu.memory_space<hbm>>) dst(%dma_wait3A_326 : memref<128xf32, #tpu.memory_space<vmem>>)
    %dma_wait3A_331 = arith.constant 384 : i32
    %dma_wait3A_332 = tpu.memref_slice %arg19[%dma_wait3A_331] : memref<512xf32, #tpu.memory_space<vmem>> -> memref<128xf32, #tpu.memory_space<vmem>>
    %dma_wait3A_333 = arith.constant 384 : i32
    %dma_wait3A_334 = tpu.memref_slice %arg13[%dma_wait3A_333] : memref<512xi32, #tpu.memory_space<vmem>> -> memref<128xi32, #tpu.memory_space<vmem>>
    %dma_wait3A_335 = arith.constant 0 : i32
    %dma_wait3A_336 = tpu.memref_slice %arg8[%dma_wait3A_335] : memref<1000000xf32, #tpu.memory_space<hbm>> -> memref<1000000xf32, #tpu.memory_space<hbm>>
    tpu.wait_indirect_dma semaphore(%arg22 : memref<!tpu.dma_semaphore, #tpu.memory_space<semaphore_mem>>) src(%dma_wait3A_336 : memref<1000000xf32, #tpu.memory_space<hbm>>) dst(%dma_wait3A_332 : memref<128xf32, #tpu.memory_space<vmem>>)
    %iota3A = tpu.iota {dimensions = array<i32: 0>} : vector<16xi32>
    %scan3A = arith.constant 0 : i32
    %scan3A_337 = arith.constant 0 : i32
    %scan3A_338 = arith.constant 32 : i32
    %scan3A_339 = arith.addi %scan3A_337, %scan3A_338 : i32
    %scan3A_340 = arith.constant 1 : i32
    scf.for %scan3A_342 = %scan3A_337 to %scan3A_339 step %scan3A_340  : i32 {
      %mul3A_343 = arith.constant 16 : i32
      %mul3A_344 = arith.muli %scan3A_342, %mul3A_343 : i32
      %add3A_345 = vector.broadcast %mul3A_344 : i32 to vector<16xi32>
      %add3A_346 = arith.addi %add3A_345, %iota3A : vector<16xi32>
      %broadcast_in_dim3A = arith.constant 0.000000e+00 : f32
      %broadcast_in_dim3A_347 = vector.broadcast %broadcast_in_dim3A : f32 to vector<16xf32>
      %broadcast_in_dim3A_348 = arith.constant 0.000000e+00 : f32
      %broadcast_in_dim3A_349 = vector.broadcast %broadcast_in_dim3A_348 : f32 to vector<16xf32>
      %broadcast_in_dim3A_350 = arith.constant 0 : i32
      %broadcast_in_dim3A_351 = vector.broadcast %broadcast_in_dim3A_350 : i32 to vector<16xi32>
      %gather3A = tpu.vector_load_idx %arg14[%add3A_346, %broadcast_in_dim3A_351] : memref<512x64xf32, #tpu.memory_space<vmem>>[vector<16xi32>, vector<16xi32>], vector<16xf32>,
      %gather3A_352 = tpu.vector_load_idx %arg15[%add3A_346, %broadcast_in_dim3A_351] : memref<512x64xf32, #tpu.memory_space<vmem>>[vector<16xi32>, vector<16xi32>], vector<16xf32>,
      %gather3A_353 = tpu.vector_load_idx %arg16[%add3A_346, %broadcast_in_dim3A_351] : memref<512x64xf32, #tpu.memory_space<vmem>>[vector<16xi32>, vector<16xi32>], vector<16xf32>,
      %mul3A_354 = arith.mulf %gather3A, %gather3A_352 : vector<16xf32>
      %add3A_355 = arith.addf %broadcast_in_dim3A_347, %mul3A_354 : vector<16xf32>
      %mul3A_356 = arith.mulf %gather3A, %gather3A_353 : vector<16xf32>
      %add3A_357 = arith.addf %broadcast_in_dim3A_349, %mul3A_356 : vector<16xf32>
      %broadcast_in_dim3A_358 = arith.constant 1 : i32
      %broadcast_in_dim3A_359 = vector.broadcast %broadcast_in_dim3A_358 : i32 to vector<16xi32>
      %gather3A_360 = tpu.vector_load_idx %arg14[%add3A_346, %broadcast_in_dim3A_359] : memref<512x64xf32, #tpu.memory_space<vmem>>[vector<16xi32>, vector<16xi32>], vector<16xf32>,
      %gather3A_361 = tpu.vector_load_idx %arg15[%add3A_346, %broadcast_in_dim3A_359] : memref<512x64xf32, #tpu.memory_space<vmem>>[vector<16xi32>, vector<16xi32>], vector<16xf32>,
      %gather3A_362 = tpu.vector_load_idx %arg16[%add3A_346, %broadcast_in_dim3A_359] : memref<512x64xf32, #tpu.memory_space<vmem>>[vector<16xi32>, vector<16xi32>], vector<16xf32>,
      %mul3A_363 = arith.mulf %gather3A_360, %gather3A_361 : vector<16xf32>
      %add3A_364 = arith.addf %add3A_355, %mul3A_363 : vector<16xf32>
      %mul3A_365 = arith.mulf %gather3A_360, %gather3A_362 : vector<16xf32>
      %add3A_366 = arith.addf %add3A_357, %mul3A_365 : vector<16xf32>
      %broadcast_in_dim3A_367 = arith.constant 2 : i32
      %broadcast_in_dim3A_368 = vector.broadcast %broadcast_in_dim3A_367 : i32 to vector<16xi32>
      %gather3A_369 = tpu.vector_load_idx %arg14[%add3A_346, %broadcast_in_dim3A_368] : memref<512x64xf32, #tpu.memory_space<vmem>>[vector<16xi32>, vector<16xi32>], vector<16xf32>,
      %gather3A_370 = tpu.vector_load_idx %arg15[%add3A_346, %broadcast_in_dim3A_368] : memref<512x64xf32, #tpu.memory_space<vmem>>[vector<16xi32>, vector<16xi32>], vector<16xf32>,
      %gather3A_371 = tpu.vector_load_idx %arg16[%add3A_346, %broadcast_in_dim3A_368] : memref<512x64xf32, #tpu.memory_space<vmem>>[vector<16xi32>, vector<16xi32>], vector<16xf32>,
      %mul3A_372 = arith.mulf %gather3A_369, %gather3A_370 : vector<16xf32>
      %add3A_373 = arith.addf %add3A_364, %mul3A_372 : vector<16xf32>
      %mul3A_374 = arith.mulf %gather3A_369, %gather3A_371 : vector<16xf32>
      %add3A_375 = arith.addf %add3A_366, %mul3A_374 : vector<16xf32>
      %broadcast_in_dim3A_376 = arith.constant 3 : i32
      %broadcast_in_dim3A_377 = vector.broadcast %broadcast_in_dim3A_376 : i32 to vector<16xi32>
      %gather3A_378 = tpu.vector_load_idx %arg14[%add3A_346, %broadcast_in_dim3A_377] : memref<512x64xf32, #tpu.memory_space<vmem>>[vector<16xi32>, vector<16xi32>], vector<16xf32>,
      %gather3A_379 = tpu.vector_load_idx %arg15[%add3A_346, %broadcast_in_dim3A_377] : memref<512x64xf32, #tpu.memory_space<vmem>>[vector<16xi32>, vector<16xi32>], vector<16xf32>,
      %gather3A_380 = tpu.vector_load_idx %arg16[%add3A_346, %broadcast_in_dim3A_377] : memref<512x64xf32, #tpu.memory_space<vmem>>[vector<16xi32>, vector<16xi32>], vector<16xf32>,
      %mul3A_381 = arith.mulf %gather3A_378, %gather3A_379 : vector<16xf32>
      %add3A_382 = arith.addf %add3A_373, %mul3A_381 : vector<16xf32>
      %mul3A_383 = arith.mulf %gather3A_378, %gather3A_380 : vector<16xf32>
      %add3A_384 = arith.addf %add3A_375, %mul3A_383 : vector<16xf32>
      %broadcast_in_dim3A_385 = arith.constant 4 : i32
      %broadcast_in_dim3A_386 = vector.broadcast %broadcast_in_dim3A_385 : i32 to vector<16xi32>
      %gather3A_387 = tpu.vector_load_idx %arg14[%add3A_346, %broadcast_in_dim3A_386] : memref<512x64xf32, #tpu.memory_space<vmem>>[vector<16xi32>, vector<16xi32>], vector<16xf32>,
      %gather3A_388 = tpu.vector_load_idx %arg15[%add3A_346, %broadcast_in_dim3A_386] : memref<512x64xf32, #tpu.memory_space<vmem>>[vector<16xi32>, vector<16xi32>], vector<16xf32>,
      %gather3A_389 = tpu.vector_load_idx %arg16[%add3A_346, %broadcast_in_dim3A_386] : memref<512x64xf32, #tpu.memory_space<vmem>>[vector<16xi32>, vector<16xi32>], vector<16xf32>,
      %mul3A_390 = arith.mulf %gather3A_387, %gather3A_388 : vector<16xf32>
      %add3A_391 = arith.addf %add3A_382, %mul3A_390 : vector<16xf32>
      %mul3A_392 = arith.mulf %gather3A_387, %gather3A_389 : vector<16xf32>
      %add3A_393 = arith.addf %add3A_384, %mul3A_392 : vector<16xf32>
      %broadcast_in_dim3A_394 = arith.constant 5 : i32
      %broadcast_in_dim3A_395 = vector.broadcast %broadcast_in_dim3A_394 : i32 to vector<16xi32>
      %gather3A_396 = tpu.vector_load_idx %arg14[%add3A_346, %broadcast_in_dim3A_395] : memref<512x64xf32, #tpu.memory_space<vmem>>[vector<16xi32>, vector<16xi32>], vector<16xf32>,
      %gather3A_397 = tpu.vector_load_idx %arg15[%add3A_346, %broadcast_in_dim3A_395] : memref<512x64xf32, #tpu.memory_space<vmem>>[vector<16xi32>, vector<16xi32>], vector<16xf32>,
      %gather3A_398 = tpu.vector_load_idx %arg16[%add3A_346, %broadcast_in_dim3A_395] : memref<512x64xf32, #tpu.memory_space<vmem>>[vector<16xi32>, vector<16xi32>], vector<16xf32>,
      %mul3A_399 = arith.mulf %gather3A_396, %gather3A_397 : vector<16xf32>
      %add3A_400 = arith.addf %add3A_391, %mul3A_399 : vector<16xf32>
      %mul3A_401 = arith.mulf %gather3A_396, %gather3A_398 : vector<16xf32>
      %add3A_402 = arith.addf %add3A_393, %mul3A_401 : vector<16xf32>
      %broadcast_in_dim3A_403 = arith.constant 6 : i32
      %broadcast_in_dim3A_404 = vector.broadcast %broadcast_in_dim3A_403 : i32 to vector<16xi32>
      %gather3A_405 = tpu.vector_load_idx %arg14[%add3A_346, %broadcast_in_dim3A_404] : memref<512x64xf32, #tpu.memory_space<vmem>>[vector<16xi32>, vector<16xi32>], vector<16xf32>,
      %gather3A_406 = tpu.vector_load_idx %arg15[%add3A_346, %broadcast_in_dim3A_404] : memref<512x64xf32, #tpu.memory_space<vmem>>[vector<16xi32>, vector<16xi32>], vector<16xf32>,
      %gather3A_407 = tpu.vector_load_idx %arg16[%add3A_346, %broadcast_in_dim3A_404] : memref<512x64xf32, #tpu.memory_space<vmem>>[vector<16xi32>, vector<16xi32>], vector<16xf32>,
      %mul3A_408 = arith.mulf %gather3A_405, %gather3A_406 : vector<16xf32>
      %add3A_409 = arith.addf %add3A_400, %mul3A_408 : vector<16xf32>
      %mul3A_410 = arith.mulf %gather3A_405, %gather3A_407 : vector<16xf32>
      %add3A_411 = arith.addf %add3A_402, %mul3A_410 : vector<16xf32>
      %broadcast_in_dim3A_412 = arith.constant 7 : i32
      %broadcast_in_dim3A_413 = vector.broadcast %broadcast_in_dim3A_412 : i32 to vector<16xi32>
      %gather3A_414 = tpu.vector_load_idx %arg14[%add3A_346, %broadcast_in_dim3A_413] : memref<512x64xf32, #tpu.memory_space<vmem>>[vector<16xi32>, vector<16xi32>], vector<16xf32>,
      %gather3A_415 = tpu.vector_load_idx %arg15[%add3A_346, %broadcast_in_dim3A_413] : memref<512x64xf32, #tpu.memory_space<vmem>>[vector<16xi32>, vector<16xi32>], vector<16xf32>,
      %gather3A_416 = tpu.vector_load_idx %arg16[%add3A_346, %broadcast_in_dim3A_413] : memref<512x64xf32, #tpu.memory_space<vmem>>[vector<16xi32>, vector<16xi32>], vector<16xf32>,
      %mul3A_417 = arith.mulf %gather3A_414, %gather3A_415 : vector<16xf32>
      %add3A_418 = arith.addf %add3A_409, %mul3A_417 : vector<16xf32>
      %mul3A_419 = arith.mulf %gather3A_414, %gather3A_416 : vector<16xf32>
      %add3A_420 = arith.addf %add3A_411, %mul3A_419 : vector<16xf32>
      %broadcast_in_dim3A_421 = arith.constant 8 : i32
      %broadcast_in_dim3A_422 = vector.broadcast %broadcast_in_dim3A_421 : i32 to vector<16xi32>
      %gather3A_423 = tpu.vector_load_idx %arg14[%add3A_346, %broadcast_in_dim3A_422] : memref<512x64xf32, #tpu.memory_space<vmem>>[vector<16xi32>, vector<16xi32>], vector<16xf32>,
      %gather3A_424 = tpu.vector_load_idx %arg15[%add3A_346, %broadcast_in_dim3A_422] : memref<512x64xf32, #tpu.memory_space<vmem>>[vector<16xi32>, vector<16xi32>], vector<16xf32>,
      %gather3A_425 = tpu.vector_load_idx %arg16[%add3A_346, %broadcast_in_dim3A_422] : memref<512x64xf32, #tpu.memory_space<vmem>>[vector<16xi32>, vector<16xi32>], vector<16xf32>,
      %mul3A_426 = arith.mulf %gather3A_423, %gather3A_424 : vector<16xf32>
      %add3A_427 = arith.addf %add3A_418, %mul3A_426 : vector<16xf32>
      %mul3A_428 = arith.mulf %gather3A_423, %gather3A_425 : vector<16xf32>
      %add3A_429 = arith.addf %add3A_420, %mul3A_428 : vector<16xf32>
      %broadcast_in_dim3A_430 = arith.constant 9 : i32
      %broadcast_in_dim3A_431 = vector.broadcast %broadcast_in_dim3A_430 : i32 to vector<16xi32>
      %gather3A_432 = tpu.vector_load_idx %arg14[%add3A_346, %broadcast_in_dim3A_431] : memref<512x64xf32, #tpu.memory_space<vmem>>[vector<16xi32>, vector<16xi32>], vector<16xf32>,
      %gather3A_433 = tpu.vector_load_idx %arg15[%add3A_346, %broadcast_in_dim3A_431] : memref<512x64xf32, #tpu.memory_space<vmem>>[vector<16xi32>, vector<16xi32>], vector<16xf32>,
      %gather3A_434 = tpu.vector_load_idx %arg16[%add3A_346, %broadcast_in_dim3A_431] : memref<512x64xf32, #tpu.memory_space<vmem>>[vector<16xi32>, vector<16xi32>], vector<16xf32>,
      %mul3A_435 = arith.mulf %gather3A_432, %gather3A_433 : vector<16xf32>
      %add3A_436 = arith.addf %add3A_427, %mul3A_435 : vector<16xf32>
      %mul3A_437 = arith.mulf %gather3A_432, %gather3A_434 : vector<16xf32>
      %add3A_438 = arith.addf %add3A_429, %mul3A_437 : vector<16xf32>
      %broadcast_in_dim3A_439 = arith.constant 10 : i32
      %broadcast_in_dim3A_440 = vector.broadcast %broadcast_in_dim3A_439 : i32 to vector<16xi32>
      %gather3A_441 = tpu.vector_load_idx %arg14[%add3A_346, %broadcast_in_dim3A_440] : memref<512x64xf32, #tpu.memory_space<vmem>>[vector<16xi32>, vector<16xi32>], vector<16xf32>,
      %gather3A_442 = tpu.vector_load_idx %arg15[%add3A_346, %broadcast_in_dim3A_440] : memref<512x64xf32, #tpu.memory_space<vmem>>[vector<16xi32>, vector<16xi32>], vector<16xf32>,
      %gather3A_443 = tpu.vector_load_idx %arg16[%add3A_346, %broadcast_in_dim3A_440] : memref<512x64xf32, #tpu.memory_space<vmem>>[vector<16xi32>, vector<16xi32>], vector<16xf32>,
      %mul3A_444 = arith.mulf %gather3A_441, %gather3A_442 : vector<16xf32>
      %add3A_445 = arith.addf %add3A_436, %mul3A_444 : vector<16xf32>
      %mul3A_446 = arith.mulf %gather3A_441, %gather3A_443 : vector<16xf32>
      %add3A_447 = arith.addf %add3A_438, %mul3A_446 : vector<16xf32>
      %broadcast_in_dim3A_448 = arith.constant 11 : i32
      %broadcast_in_dim3A_449 = vector.broadcast %broadcast_in_dim3A_448 : i32 to vector<16xi32>
      %gather3A_450 = tpu.vector_load_idx %arg14[%add3A_346, %broadcast_in_dim3A_449] : memref<512x64xf32, #tpu.memory_space<vmem>>[vector<16xi32>, vector<16xi32>], vector<16xf32>,
      %gather3A_451 = tpu.vector_load_idx %arg15[%add3A_346, %broadcast_in_dim3A_449] : memref<512x64xf32, #tpu.memory_space<vmem>>[vector<16xi32>, vector<16xi32>], vector<16xf32>,
      %gather3A_452 = tpu.vector_load_idx %arg16[%add3A_346, %broadcast_in_dim3A_449] : memref<512x64xf32, #tpu.memory_space<vmem>>[vector<16xi32>, vector<16xi32>], vector<16xf32>,
      %mul3A_453 = arith.mulf %gather3A_450, %gather3A_451 : vector<16xf32>
      %add3A_454 = arith.addf %add3A_445, %mul3A_453 : vector<16xf32>
      %mul3A_455 = arith.mulf %gather3A_450, %gather3A_452 : vector<16xf32>
      %add3A_456 = arith.addf %add3A_447, %mul3A_455 : vector<16xf32>
      %broadcast_in_dim3A_457 = arith.constant 12 : i32
      %broadcast_in_dim3A_458 = vector.broadcast %broadcast_in_dim3A_457 : i32 to vector<16xi32>
      %gather3A_459 = tpu.vector_load_idx %arg14[%add3A_346, %broadcast_in_dim3A_458] : memref<512x64xf32, #tpu.memory_space<vmem>>[vector<16xi32>, vector<16xi32>], vector<16xf32>,
      %gather3A_460 = tpu.vector_load_idx %arg15[%add3A_346, %broadcast_in_dim3A_458] : memref<512x64xf32, #tpu.memory_space<vmem>>[vector<16xi32>, vector<16xi32>], vector<16xf32>,
      %gather3A_461 = tpu.vector_load_idx %arg16[%add3A_346, %broadcast_in_dim3A_458] : memref<512x64xf32, #tpu.memory_space<vmem>>[vector<16xi32>, vector<16xi32>], vector<16xf32>,
      %mul3A_462 = arith.mulf %gather3A_459, %gather3A_460 : vector<16xf32>
      %add3A_463 = arith.addf %add3A_454, %mul3A_462 : vector<16xf32>
      %mul3A_464 = arith.mulf %gather3A_459, %gather3A_461 : vector<16xf32>
      %add3A_465 = arith.addf %add3A_456, %mul3A_464 : vector<16xf32>
      %broadcast_in_dim3A_466 = arith.constant 13 : i32
      %broadcast_in_dim3A_467 = vector.broadcast %broadcast_in_dim3A_466 : i32 to vector<16xi32>
      %gather3A_468 = tpu.vector_load_idx %arg14[%add3A_346, %broadcast_in_dim3A_467] : memref<512x64xf32, #tpu.memory_space<vmem>>[vector<16xi32>, vector<16xi32>], vector<16xf32>,
      %gather3A_469 = tpu.vector_load_idx %arg15[%add3A_346, %broadcast_in_dim3A_467] : memref<512x64xf32, #tpu.memory_space<vmem>>[vector<16xi32>, vector<16xi32>], vector<16xf32>,
      %gather3A_470 = tpu.vector_load_idx %arg16[%add3A_346, %broadcast_in_dim3A_467] : memref<512x64xf32, #tpu.memory_space<vmem>>[vector<16xi32>, vector<16xi32>], vector<16xf32>,
      %mul3A_471 = arith.mulf %gather3A_468, %gather3A_469 : vector<16xf32>
      %add3A_472 = arith.addf %add3A_463, %mul3A_471 : vector<16xf32>
      %mul3A_473 = arith.mulf %gather3A_468, %gather3A_470 : vector<16xf32>
      %add3A_474 = arith.addf %add3A_465, %mul3A_473 : vector<16xf32>
      %broadcast_in_dim3A_475 = arith.constant 14 : i32
      %broadcast_in_dim3A_476 = vector.broadcast %broadcast_in_dim3A_475 : i32 to vector<16xi32>
      %gather3A_477 = tpu.vector_load_idx %arg14[%add3A_346, %broadcast_in_dim3A_476] : memref<512x64xf32, #tpu.memory_space<vmem>>[vector<16xi32>, vector<16xi32>], vector<16xf32>,
      %gather3A_478 = tpu.vector_load_idx %arg15[%add3A_346, %broadcast_in_dim3A_476] : memref<512x64xf32, #tpu.memory_space<vmem>>[vector<16xi32>, vector<16xi32>], vector<16xf32>,
      %gather3A_479 = tpu.vector_load_idx %arg16[%add3A_346, %broadcast_in_dim3A_476] : memref<512x64xf32, #tpu.memory_space<vmem>>[vector<16xi32>, vector<16xi32>], vector<16xf32>,
      %mul3A_480 = arith.mulf %gather3A_477, %gather3A_478 : vector<16xf32>
      %add3A_481 = arith.addf %add3A_472, %mul3A_480 : vector<16xf32>
      %mul3A_482 = arith.mulf %gather3A_477, %gather3A_479 : vector<16xf32>
      %add3A_483 = arith.addf %add3A_474, %mul3A_482 : vector<16xf32>
      %broadcast_in_dim3A_484 = arith.constant 15 : i32
      %broadcast_in_dim3A_485 = vector.broadcast %broadcast_in_dim3A_484 : i32 to vector<16xi32>
      %gather3A_486 = tpu.vector_load_idx %arg14[%add3A_346, %broadcast_in_dim3A_485] : memref<512x64xf32, #tpu.memory_space<vmem>>[vector<16xi32>, vector<16xi32>], vector<16xf32>,
      %gather3A_487 = tpu.vector_load_idx %arg15[%add3A_346, %broadcast_in_dim3A_485] : memref<512x64xf32, #tpu.memory_space<vmem>>[vector<16xi32>, vector<16xi32>], vector<16xf32>,
      %gather3A_488 = tpu.vector_load_idx %arg16[%add3A_346, %broadcast_in_dim3A_485] : memref<512x64xf32, #tpu.memory_space<vmem>>[vector<16xi32>, vector<16xi32>], vector<16xf32>,
      %mul3A_489 = arith.mulf %gather3A_486, %gather3A_487 : vector<16xf32>
      %add3A_490 = arith.addf %add3A_481, %mul3A_489 : vector<16xf32>
      %mul3A_491 = arith.mulf %gather3A_486, %gather3A_488 : vector<16xf32>
      %add3A_492 = arith.addf %add3A_483, %mul3A_491 : vector<16xf32>
      %broadcast_in_dim3A_493 = arith.constant 16 : i32
      %broadcast_in_dim3A_494 = vector.broadcast %broadcast_in_dim3A_493 : i32 to vector<16xi32>
      %gather3A_495 = tpu.vector_load_idx %arg14[%add3A_346, %broadcast_in_dim3A_494] : memref<512x64xf32, #tpu.memory_space<vmem>>[vector<16xi32>, vector<16xi32>], vector<16xf32>,
      %gather3A_496 = tpu.vector_load_idx %arg15[%add3A_346, %broadcast_in_dim3A_494] : memref<512x64xf32, #tpu.memory_space<vmem>>[vector<16xi32>, vector<16xi32>], vector<16xf32>,
      %gather3A_497 = tpu.vector_load_idx %arg16[%add3A_346, %broadcast_in_dim3A_494] : memref<512x64xf32, #tpu.memory_space<vmem>>[vector<16xi32>, vector<16xi32>], vector<16xf32>,
      %mul3A_498 = arith.mulf %gather3A_495, %gather3A_496 : vector<16xf32>
      %add3A_499 = arith.addf %add3A_490, %mul3A_498 : vector<16xf32>
      %mul3A_500 = arith.mulf %gather3A_495, %gather3A_497 : vector<16xf32>
      %add3A_501 = arith.addf %add3A_492, %mul3A_500 : vector<16xf32>
      %broadcast_in_dim3A_502 = arith.constant 17 : i32
      %broadcast_in_dim3A_503 = vector.broadcast %broadcast_in_dim3A_502 : i32 to vector<16xi32>
      %gather3A_504 = tpu.vector_load_idx %arg14[%add3A_346, %broadcast_in_dim3A_503] : memref<512x64xf32, #tpu.memory_space<vmem>>[vector<16xi32>, vector<16xi32>], vector<16xf32>,
      %gather3A_505 = tpu.vector_load_idx %arg15[%add3A_346, %broadcast_in_dim3A_503] : memref<512x64xf32, #tpu.memory_space<vmem>>[vector<16xi32>, vector<16xi32>], vector<16xf32>,
      %gather3A_506 = tpu.vector_load_idx %arg16[%add3A_346, %broadcast_in_dim3A_503] : memref<512x64xf32, #tpu.memory_space<vmem>>[vector<16xi32>, vector<16xi32>], vector<16xf32>,
      %mul3A_507 = arith.mulf %gather3A_504, %gather3A_505 : vector<16xf32>
      %add3A_508 = arith.addf %add3A_499, %mul3A_507 : vector<16xf32>
      %mul3A_509 = arith.mulf %gather3A_504, %gather3A_506 : vector<16xf32>
      %add3A_510 = arith.addf %add3A_501, %mul3A_509 : vector<16xf32>
      %broadcast_in_dim3A_511 = arith.constant 18 : i32
      %broadcast_in_dim3A_512 = vector.broadcast %broadcast_in_dim3A_511 : i32 to vector<16xi32>
      %gather3A_513 = tpu.vector_load_idx %arg14[%add3A_346, %broadcast_in_dim3A_512] : memref<512x64xf32, #tpu.memory_space<vmem>>[vector<16xi32>, vector<16xi32>], vector<16xf32>,
      %gather3A_514 = tpu.vector_load_idx %arg15[%add3A_346, %broadcast_in_dim3A_512] : memref<512x64xf32, #tpu.memory_space<vmem>>[vector<16xi32>, vector<16xi32>], vector<16xf32>,
      %gather3A_515 = tpu.vector_load_idx %arg16[%add3A_346, %broadcast_in_dim3A_512] : memref<512x64xf32, #tpu.memory_space<vmem>>[vector<16xi32>, vector<16xi32>], vector<16xf32>,
      %mul3A_516 = arith.mulf %gather3A_513, %gather3A_514 : vector<16xf32>
      %add3A_517 = arith.addf %add3A_508, %mul3A_516 : vector<16xf32>
      %mul3A_518 = arith.mulf %gather3A_513, %gather3A_515 : vector<16xf32>
      %add3A_519 = arith.addf %add3A_510, %mul3A_518 : vector<16xf32>
      %broadcast_in_dim3A_520 = arith.constant 19 : i32
      %broadcast_in_dim3A_521 = vector.broadcast %broadcast_in_dim3A_520 : i32 to vector<16xi32>
      %gather3A_522 = tpu.vector_load_idx %arg14[%add3A_346, %broadcast_in_dim3A_521] : memref<512x64xf32, #tpu.memory_space<vmem>>[vector<16xi32>, vector<16xi32>], vector<16xf32>,
      %gather3A_523 = tpu.vector_load_idx %arg15[%add3A_346, %broadcast_in_dim3A_521] : memref<512x64xf32, #tpu.memory_space<vmem>>[vector<16xi32>, vector<16xi32>], vector<16xf32>,
      %gather3A_524 = tpu.vector_load_idx %arg16[%add3A_346, %broadcast_in_dim3A_521] : memref<512x64xf32, #tpu.memory_space<vmem>>[vector<16xi32>, vector<16xi32>], vector<16xf32>,
      %mul3A_525 = arith.mulf %gather3A_522, %gather3A_523 : vector<16xf32>
      %add3A_526 = arith.addf %add3A_517, %mul3A_525 : vector<16xf32>
      %mul3A_527 = arith.mulf %gather3A_522, %gather3A_524 : vector<16xf32>
      %add3A_528 = arith.addf %add3A_519, %mul3A_527 : vector<16xf32>
      %broadcast_in_dim3A_529 = arith.constant 20 : i32
      %broadcast_in_dim3A_530 = vector.broadcast %broadcast_in_dim3A_529 : i32 to vector<16xi32>
      %gather3A_531 = tpu.vector_load_idx %arg14[%add3A_346, %broadcast_in_dim3A_530] : memref<512x64xf32, #tpu.memory_space<vmem>>[vector<16xi32>, vector<16xi32>], vector<16xf32>,
      %gather3A_532 = tpu.vector_load_idx %arg15[%add3A_346, %broadcast_in_dim3A_530] : memref<512x64xf32, #tpu.memory_space<vmem>>[vector<16xi32>, vector<16xi32>], vector<16xf32>,
      %gather3A_533 = tpu.vector_load_idx %arg16[%add3A_346, %broadcast_in_dim3A_530] : memref<512x64xf32, #tpu.memory_space<vmem>>[vector<16xi32>, vector<16xi32>], vector<16xf32>,
      %mul3A_534 = arith.mulf %gather3A_531, %gather3A_532 : vector<16xf32>
      %add3A_535 = arith.addf %add3A_526, %mul3A_534 : vector<16xf32>
      %mul3A_536 = arith.mulf %gather3A_531, %gather3A_533 : vector<16xf32>
      %add3A_537 = arith.addf %add3A_528, %mul3A_536 : vector<16xf32>
      %broadcast_in_dim3A_538 = arith.constant 21 : i32
      %broadcast_in_dim3A_539 = vector.broadcast %broadcast_in_dim3A_538 : i32 to vector<16xi32>
      %gather3A_540 = tpu.vector_load_idx %arg14[%add3A_346, %broadcast_in_dim3A_539] : memref<512x64xf32, #tpu.memory_space<vmem>>[vector<16xi32>, vector<16xi32>], vector<16xf32>,
      %gather3A_541 = tpu.vector_load_idx %arg15[%add3A_346, %broadcast_in_dim3A_539] : memref<512x64xf32, #tpu.memory_space<vmem>>[vector<16xi32>, vector<16xi32>], vector<16xf32>,
      %gather3A_542 = tpu.vector_load_idx %arg16[%add3A_346, %broadcast_in_dim3A_539] : memref<512x64xf32, #tpu.memory_space<vmem>>[vector<16xi32>, vector<16xi32>], vector<16xf32>,
      %mul3A_543 = arith.mulf %gather3A_540, %gather3A_541 : vector<16xf32>
      %add3A_544 = arith.addf %add3A_535, %mul3A_543 : vector<16xf32>
      %mul3A_545 = arith.mulf %gather3A_540, %gather3A_542 : vector<16xf32>
      %add3A_546 = arith.addf %add3A_537, %mul3A_545 : vector<16xf32>
      %broadcast_in_dim3A_547 = arith.constant 22 : i32
      %broadcast_in_dim3A_548 = vector.broadcast %broadcast_in_dim3A_547 : i32 to vector<16xi32>
      %gather3A_549 = tpu.vector_load_idx %arg14[%add3A_346, %broadcast_in_dim3A_548] : memref<512x64xf32, #tpu.memory_space<vmem>>[vector<16xi32>, vector<16xi32>], vector<16xf32>,
      %gather3A_550 = tpu.vector_load_idx %arg15[%add3A_346, %broadcast_in_dim3A_548] : memref<512x64xf32, #tpu.memory_space<vmem>>[vector<16xi32>, vector<16xi32>], vector<16xf32>,
      %gather3A_551 = tpu.vector_load_idx %arg16[%add3A_346, %broadcast_in_dim3A_548] : memref<512x64xf32, #tpu.memory_space<vmem>>[vector<16xi32>, vector<16xi32>], vector<16xf32>,
      %mul3A_552 = arith.mulf %gather3A_549, %gather3A_550 : vector<16xf32>
      %add3A_553 = arith.addf %add3A_544, %mul3A_552 : vector<16xf32>
      %mul3A_554 = arith.mulf %gather3A_549, %gather3A_551 : vector<16xf32>
      %add3A_555 = arith.addf %add3A_546, %mul3A_554 : vector<16xf32>
      %broadcast_in_dim3A_556 = arith.constant 23 : i32
      %broadcast_in_dim3A_557 = vector.broadcast %broadcast_in_dim3A_556 : i32 to vector<16xi32>
      %gather3A_558 = tpu.vector_load_idx %arg14[%add3A_346, %broadcast_in_dim3A_557] : memref<512x64xf32, #tpu.memory_space<vmem>>[vector<16xi32>, vector<16xi32>], vector<16xf32>,
      %gather3A_559 = tpu.vector_load_idx %arg15[%add3A_346, %broadcast_in_dim3A_557] : memref<512x64xf32, #tpu.memory_space<vmem>>[vector<16xi32>, vector<16xi32>], vector<16xf32>,
      %gather3A_560 = tpu.vector_load_idx %arg16[%add3A_346, %broadcast_in_dim3A_557] : memref<512x64xf32, #tpu.memory_space<vmem>>[vector<16xi32>, vector<16xi32>], vector<16xf32>,
      %mul3A_561 = arith.mulf %gather3A_558, %gather3A_559 : vector<16xf32>
      %add3A_562 = arith.addf %add3A_553, %mul3A_561 : vector<16xf32>
      %mul3A_563 = arith.mulf %gather3A_558, %gather3A_560 : vector<16xf32>
      %add3A_564 = arith.addf %add3A_555, %mul3A_563 : vector<16xf32>
      %broadcast_in_dim3A_565 = arith.constant 24 : i32
      %broadcast_in_dim3A_566 = vector.broadcast %broadcast_in_dim3A_565 : i32 to vector<16xi32>
      %gather3A_567 = tpu.vector_load_idx %arg14[%add3A_346, %broadcast_in_dim3A_566] : memref<512x64xf32, #tpu.memory_space<vmem>>[vector<16xi32>, vector<16xi32>], vector<16xf32>,
      %gather3A_568 = tpu.vector_load_idx %arg15[%add3A_346, %broadcast_in_dim3A_566] : memref<512x64xf32, #tpu.memory_space<vmem>>[vector<16xi32>, vector<16xi32>], vector<16xf32>,
      %gather3A_569 = tpu.vector_load_idx %arg16[%add3A_346, %broadcast_in_dim3A_566] : memref<512x64xf32, #tpu.memory_space<vmem>>[vector<16xi32>, vector<16xi32>], vector<16xf32>,
      %mul3A_570 = arith.mulf %gather3A_567, %gather3A_568 : vector<16xf32>
      %add3A_571 = arith.addf %add3A_562, %mul3A_570 : vector<16xf32>
      %mul3A_572 = arith.mulf %gather3A_567, %gather3A_569 : vector<16xf32>
      %add3A_573 = arith.addf %add3A_564, %mul3A_572 : vector<16xf32>
      %broadcast_in_dim3A_574 = arith.constant 25 : i32
      %broadcast_in_dim3A_575 = vector.broadcast %broadcast_in_dim3A_574 : i32 to vector<16xi32>
      %gather3A_576 = tpu.vector_load_idx %arg14[%add3A_346, %broadcast_in_dim3A_575] : memref<512x64xf32, #tpu.memory_space<vmem>>[vector<16xi32>, vector<16xi32>], vector<16xf32>,
      %gather3A_577 = tpu.vector_load_idx %arg15[%add3A_346, %broadcast_in_dim3A_575] : memref<512x64xf32, #tpu.memory_space<vmem>>[vector<16xi32>, vector<16xi32>], vector<16xf32>,
      %gather3A_578 = tpu.vector_load_idx %arg16[%add3A_346, %broadcast_in_dim3A_575] : memref<512x64xf32, #tpu.memory_space<vmem>>[vector<16xi32>, vector<16xi32>], vector<16xf32>,
      %mul3A_579 = arith.mulf %gather3A_576, %gather3A_577 : vector<16xf32>
      %add3A_580 = arith.addf %add3A_571, %mul3A_579 : vector<16xf32>
      %mul3A_581 = arith.mulf %gather3A_576, %gather3A_578 : vector<16xf32>
      %add3A_582 = arith.addf %add3A_573, %mul3A_581 : vector<16xf32>
      %broadcast_in_dim3A_583 = arith.constant 26 : i32
      %broadcast_in_dim3A_584 = vector.broadcast %broadcast_in_dim3A_583 : i32 to vector<16xi32>
      %gather3A_585 = tpu.vector_load_idx %arg14[%add3A_346, %broadcast_in_dim3A_584] : memref<512x64xf32, #tpu.memory_space<vmem>>[vector<16xi32>, vector<16xi32>], vector<16xf32>,
      %gather3A_586 = tpu.vector_load_idx %arg15[%add3A_346, %broadcast_in_dim3A_584] : memref<512x64xf32, #tpu.memory_space<vmem>>[vector<16xi32>, vector<16xi32>], vector<16xf32>,
      %gather3A_587 = tpu.vector_load_idx %arg16[%add3A_346, %broadcast_in_dim3A_584] : memref<512x64xf32, #tpu.memory_space<vmem>>[vector<16xi32>, vector<16xi32>], vector<16xf32>,
      %mul3A_588 = arith.mulf %gather3A_585, %gather3A_586 : vector<16xf32>
      %add3A_589 = arith.addf %add3A_580, %mul3A_588 : vector<16xf32>
      %mul3A_590 = arith.mulf %gather3A_585, %gather3A_587 : vector<16xf32>
      %add3A_591 = arith.addf %add3A_582, %mul3A_590 : vector<16xf32>
      %broadcast_in_dim3A_592 = arith.constant 27 : i32
      %broadcast_in_dim3A_593 = vector.broadcast %broadcast_in_dim3A_592 : i32 to vector<16xi32>
      %gather3A_594 = tpu.vector_load_idx %arg14[%add3A_346, %broadcast_in_dim3A_593] : memref<512x64xf32, #tpu.memory_space<vmem>>[vector<16xi32>, vector<16xi32>], vector<16xf32>,
      %gather3A_595 = tpu.vector_load_idx %arg15[%add3A_346, %broadcast_in_dim3A_593] : memref<512x64xf32, #tpu.memory_space<vmem>>[vector<16xi32>, vector<16xi32>], vector<16xf32>,
      %gather3A_596 = tpu.vector_load_idx %arg16[%add3A_346, %broadcast_in_dim3A_593] : memref<512x64xf32, #tpu.memory_space<vmem>>[vector<16xi32>, vector<16xi32>], vector<16xf32>,
      %mul3A_597 = arith.mulf %gather3A_594, %gather3A_595 : vector<16xf32>
      %add3A_598 = arith.addf %add3A_589, %mul3A_597 : vector<16xf32>
      %mul3A_599 = arith.mulf %gather3A_594, %gather3A_596 : vector<16xf32>
      %add3A_600 = arith.addf %add3A_591, %mul3A_599 : vector<16xf32>
      %broadcast_in_dim3A_601 = arith.constant 28 : i32
      %broadcast_in_dim3A_602 = vector.broadcast %broadcast_in_dim3A_601 : i32 to vector<16xi32>
      %gather3A_603 = tpu.vector_load_idx %arg14[%add3A_346, %broadcast_in_dim3A_602] : memref<512x64xf32, #tpu.memory_space<vmem>>[vector<16xi32>, vector<16xi32>], vector<16xf32>,
      %gather3A_604 = tpu.vector_load_idx %arg15[%add3A_346, %broadcast_in_dim3A_602] : memref<512x64xf32, #tpu.memory_space<vmem>>[vector<16xi32>, vector<16xi32>], vector<16xf32>,
      %gather3A_605 = tpu.vector_load_idx %arg16[%add3A_346, %broadcast_in_dim3A_602] : memref<512x64xf32, #tpu.memory_space<vmem>>[vector<16xi32>, vector<16xi32>], vector<16xf32>,
      %mul3A_606 = arith.mulf %gather3A_603, %gather3A_604 : vector<16xf32>
      %add3A_607 = arith.addf %add3A_598, %mul3A_606 : vector<16xf32>
      %mul3A_608 = arith.mulf %gather3A_603, %gather3A_605 : vector<16xf32>
      %add3A_609 = arith.addf %add3A_600, %mul3A_608 : vector<16xf32>
      %broadcast_in_dim3A_610 = arith.constant 29 : i32
      %broadcast_in_dim3A_611 = vector.broadcast %broadcast_in_dim3A_610 : i32 to vector<16xi32>
      %gather3A_612 = tpu.vector_load_idx %arg14[%add3A_346, %broadcast_in_dim3A_611] : memref<512x64xf32, #tpu.memory_space<vmem>>[vector<16xi32>, vector<16xi32>], vector<16xf32>,
      %gather3A_613 = tpu.vector_load_idx %arg15[%add3A_346, %broadcast_in_dim3A_611] : memref<512x64xf32, #tpu.memory_space<vmem>>[vector<16xi32>, vector<16xi32>], vector<16xf32>,
      %gather3A_614 = tpu.vector_load_idx %arg16[%add3A_346, %broadcast_in_dim3A_611] : memref<512x64xf32, #tpu.memory_space<vmem>>[vector<16xi32>, vector<16xi32>], vector<16xf32>,
      %mul3A_615 = arith.mulf %gather3A_612, %gather3A_613 : vector<16xf32>
      %add3A_616 = arith.addf %add3A_607, %mul3A_615 : vector<16xf32>
      %mul3A_617 = arith.mulf %gather3A_612, %gather3A_614 : vector<16xf32>
      %add3A_618 = arith.addf %add3A_609, %mul3A_617 : vector<16xf32>
      %broadcast_in_dim3A_619 = arith.constant 30 : i32
      %broadcast_in_dim3A_620 = vector.broadcast %broadcast_in_dim3A_619 : i32 to vector<16xi32>
      %gather3A_621 = tpu.vector_load_idx %arg14[%add3A_346, %broadcast_in_dim3A_620] : memref<512x64xf32, #tpu.memory_space<vmem>>[vector<16xi32>, vector<16xi32>], vector<16xf32>,
      %gather3A_622 = tpu.vector_load_idx %arg15[%add3A_346, %broadcast_in_dim3A_620] : memref<512x64xf32, #tpu.memory_space<vmem>>[vector<16xi32>, vector<16xi32>], vector<16xf32>,
      %gather3A_623 = tpu.vector_load_idx %arg16[%add3A_346, %broadcast_in_dim3A_620] : memref<512x64xf32, #tpu.memory_space<vmem>>[vector<16xi32>, vector<16xi32>], vector<16xf32>,
      %mul3A_624 = arith.mulf %gather3A_621, %gather3A_622 : vector<16xf32>
      %add3A_625 = arith.addf %add3A_616, %mul3A_624 : vector<16xf32>
      %mul3A_626 = arith.mulf %gather3A_621, %gather3A_623 : vector<16xf32>
      %add3A_627 = arith.addf %add3A_618, %mul3A_626 : vector<16xf32>
      %broadcast_in_dim3A_628 = arith.constant 31 : i32
      %broadcast_in_dim3A_629 = vector.broadcast %broadcast_in_dim3A_628 : i32 to vector<16xi32>
      %gather3A_630 = tpu.vector_load_idx %arg14[%add3A_346, %broadcast_in_dim3A_629] : memref<512x64xf32, #tpu.memory_space<vmem>>[vector<16xi32>, vector<16xi32>], vector<16xf32>,
      %gather3A_631 = tpu.vector_load_idx %arg15[%add3A_346, %broadcast_in_dim3A_629] : memref<512x64xf32, #tpu.memory_space<vmem>>[vector<16xi32>, vector<16xi32>], vector<16xf32>,
      %gather3A_632 = tpu.vector_load_idx %arg16[%add3A_346, %broadcast_in_dim3A_629] : memref<512x64xf32, #tpu.memory_space<vmem>>[vector<16xi32>, vector<16xi32>], vector<16xf32>,
      %mul3A_633 = arith.mulf %gather3A_630, %gather3A_631 : vector<16xf32>
      %add3A_634 = arith.addf %add3A_625, %mul3A_633 : vector<16xf32>
      %mul3A_635 = arith.mulf %gather3A_630, %gather3A_632 : vector<16xf32>
      %add3A_636 = arith.addf %add3A_627, %mul3A_635 : vector<16xf32>
      %broadcast_in_dim3A_637 = arith.constant 32 : i32
      %broadcast_in_dim3A_638 = vector.broadcast %broadcast_in_dim3A_637 : i32 to vector<16xi32>
      %gather3A_639 = tpu.vector_load_idx %arg14[%add3A_346, %broadcast_in_dim3A_638] : memref<512x64xf32, #tpu.memory_space<vmem>>[vector<16xi32>, vector<16xi32>], vector<16xf32>,
      %gather3A_640 = tpu.vector_load_idx %arg15[%add3A_346, %broadcast_in_dim3A_638] : memref<512x64xf32, #tpu.memory_space<vmem>>[vector<16xi32>, vector<16xi32>], vector<16xf32>,
      %gather3A_641 = tpu.vector_load_idx %arg16[%add3A_346, %broadcast_in_dim3A_638] : memref<512x64xf32, #tpu.memory_space<vmem>>[vector<16xi32>, vector<16xi32>], vector<16xf32>,
      %mul3A_642 = arith.mulf %gather3A_639, %gather3A_640 : vector<16xf32>
      %add3A_643 = arith.addf %add3A_634, %mul3A_642 : vector<16xf32>
      %mul3A_644 = arith.mulf %gather3A_639, %gather3A_641 : vector<16xf32>
      %add3A_645 = arith.addf %add3A_636, %mul3A_644 : vector<16xf32>
      %broadcast_in_dim3A_646 = arith.constant 33 : i32
      %broadcast_in_dim3A_647 = vector.broadcast %broadcast_in_dim3A_646 : i32 to vector<16xi32>
      %gather3A_648 = tpu.vector_load_idx %arg14[%add3A_346, %broadcast_in_dim3A_647] : memref<512x64xf32, #tpu.memory_space<vmem>>[vector<16xi32>, vector<16xi32>], vector<16xf32>,
      %gather3A_649 = tpu.vector_load_idx %arg15[%add3A_346, %broadcast_in_dim3A_647] : memref<512x64xf32, #tpu.memory_space<vmem>>[vector<16xi32>, vector<16xi32>], vector<16xf32>,
      %gather3A_650 = tpu.vector_load_idx %arg16[%add3A_346, %broadcast_in_dim3A_647] : memref<512x64xf32, #tpu.memory_space<vmem>>[vector<16xi32>, vector<16xi32>], vector<16xf32>,
      %mul3A_651 = arith.mulf %gather3A_648, %gather3A_649 : vector<16xf32>
      %add3A_652 = arith.addf %add3A_643, %mul3A_651 : vector<16xf32>
      %mul3A_653 = arith.mulf %gather3A_648, %gather3A_650 : vector<16xf32>
      %add3A_654 = arith.addf %add3A_645, %mul3A_653 : vector<16xf32>
      %broadcast_in_dim3A_655 = arith.constant 34 : i32
      %broadcast_in_dim3A_656 = vector.broadcast %broadcast_in_dim3A_655 : i32 to vector<16xi32>
      %gather3A_657 = tpu.vector_load_idx %arg14[%add3A_346, %broadcast_in_dim3A_656] : memref<512x64xf32, #tpu.memory_space<vmem>>[vector<16xi32>, vector<16xi32>], vector<16xf32>,
      %gather3A_658 = tpu.vector_load_idx %arg15[%add3A_346, %broadcast_in_dim3A_656] : memref<512x64xf32, #tpu.memory_space<vmem>>[vector<16xi32>, vector<16xi32>], vector<16xf32>,
      %gather3A_659 = tpu.vector_load_idx %arg16[%add3A_346, %broadcast_in_dim3A_656] : memref<512x64xf32, #tpu.memory_space<vmem>>[vector<16xi32>, vector<16xi32>], vector<16xf32>,
      %mul3A_660 = arith.mulf %gather3A_657, %gather3A_658 : vector<16xf32>
      %add3A_661 = arith.addf %add3A_652, %mul3A_660 : vector<16xf32>
      %mul3A_662 = arith.mulf %gather3A_657, %gather3A_659 : vector<16xf32>
      %add3A_663 = arith.addf %add3A_654, %mul3A_662 : vector<16xf32>
      %broadcast_in_dim3A_664 = arith.constant 35 : i32
      %broadcast_in_dim3A_665 = vector.broadcast %broadcast_in_dim3A_664 : i32 to vector<16xi32>
      %gather3A_666 = tpu.vector_load_idx %arg14[%add3A_346, %broadcast_in_dim3A_665] : memref<512x64xf32, #tpu.memory_space<vmem>>[vector<16xi32>, vector<16xi32>], vector<16xf32>,
      %gather3A_667 = tpu.vector_load_idx %arg15[%add3A_346, %broadcast_in_dim3A_665] : memref<512x64xf32, #tpu.memory_space<vmem>>[vector<16xi32>, vector<16xi32>], vector<16xf32>,
      %gather3A_668 = tpu.vector_load_idx %arg16[%add3A_346, %broadcast_in_dim3A_665] : memref<512x64xf32, #tpu.memory_space<vmem>>[vector<16xi32>, vector<16xi32>], vector<16xf32>,
      %mul3A_669 = arith.mulf %gather3A_666, %gather3A_667 : vector<16xf32>
      %add3A_670 = arith.addf %add3A_661, %mul3A_669 : vector<16xf32>
      %mul3A_671 = arith.mulf %gather3A_666, %gather3A_668 : vector<16xf32>
      %add3A_672 = arith.addf %add3A_663, %mul3A_671 : vector<16xf32>
      %broadcast_in_dim3A_673 = arith.constant 36 : i32
      %broadcast_in_dim3A_674 = vector.broadcast %broadcast_in_dim3A_673 : i32 to vector<16xi32>
      %gather3A_675 = tpu.vector_load_idx %arg14[%add3A_346, %broadcast_in_dim3A_674] : memref<512x64xf32, #tpu.memory_space<vmem>>[vector<16xi32>, vector<16xi32>], vector<16xf32>,
      %gather3A_676 = tpu.vector_load_idx %arg15[%add3A_346, %broadcast_in_dim3A_674] : memref<512x64xf32, #tpu.memory_space<vmem>>[vector<16xi32>, vector<16xi32>], vector<16xf32>,
      %gather3A_677 = tpu.vector_load_idx %arg16[%add3A_346, %broadcast_in_dim3A_674] : memref<512x64xf32, #tpu.memory_space<vmem>>[vector<16xi32>, vector<16xi32>], vector<16xf32>,
      %mul3A_678 = arith.mulf %gather3A_675, %gather3A_676 : vector<16xf32>
      %add3A_679 = arith.addf %add3A_670, %mul3A_678 : vector<16xf32>
      %mul3A_680 = arith.mulf %gather3A_675, %gather3A_677 : vector<16xf32>
      %add3A_681 = arith.addf %add3A_672, %mul3A_680 : vector<16xf32>
      %broadcast_in_dim3A_682 = arith.constant 37 : i32
      %broadcast_in_dim3A_683 = vector.broadcast %broadcast_in_dim3A_682 : i32 to vector<16xi32>
      %gather3A_684 = tpu.vector_load_idx %arg14[%add3A_346, %broadcast_in_dim3A_683] : memref<512x64xf32, #tpu.memory_space<vmem>>[vector<16xi32>, vector<16xi32>], vector<16xf32>,
      %gather3A_685 = tpu.vector_load_idx %arg15[%add3A_346, %broadcast_in_dim3A_683] : memref<512x64xf32, #tpu.memory_space<vmem>>[vector<16xi32>, vector<16xi32>], vector<16xf32>,
      %gather3A_686 = tpu.vector_load_idx %arg16[%add3A_346, %broadcast_in_dim3A_683] : memref<512x64xf32, #tpu.memory_space<vmem>>[vector<16xi32>, vector<16xi32>], vector<16xf32>,
      %mul3A_687 = arith.mulf %gather3A_684, %gather3A_685 : vector<16xf32>
      %add3A_688 = arith.addf %add3A_679, %mul3A_687 : vector<16xf32>
      %mul3A_689 = arith.mulf %gather3A_684, %gather3A_686 : vector<16xf32>
      %add3A_690 = arith.addf %add3A_681, %mul3A_689 : vector<16xf32>
      %broadcast_in_dim3A_691 = arith.constant 38 : i32
      %broadcast_in_dim3A_692 = vector.broadcast %broadcast_in_dim3A_691 : i32 to vector<16xi32>
      %gather3A_693 = tpu.vector_load_idx %arg14[%add3A_346, %broadcast_in_dim3A_692] : memref<512x64xf32, #tpu.memory_space<vmem>>[vector<16xi32>, vector<16xi32>], vector<16xf32>,
      %gather3A_694 = tpu.vector_load_idx %arg15[%add3A_346, %broadcast_in_dim3A_692] : memref<512x64xf32, #tpu.memory_space<vmem>>[vector<16xi32>, vector<16xi32>], vector<16xf32>,
      %gather3A_695 = tpu.vector_load_idx %arg16[%add3A_346, %broadcast_in_dim3A_692] : memref<512x64xf32, #tpu.memory_space<vmem>>[vector<16xi32>, vector<16xi32>], vector<16xf32>,
      %mul3A_696 = arith.mulf %gather3A_693, %gather3A_694 : vector<16xf32>
      %add3A_697 = arith.addf %add3A_688, %mul3A_696 : vector<16xf32>
      %mul3A_698 = arith.mulf %gather3A_693, %gather3A_695 : vector<16xf32>
      %add3A_699 = arith.addf %add3A_690, %mul3A_698 : vector<16xf32>
      %broadcast_in_dim3A_700 = arith.constant 39 : i32
      %broadcast_in_dim3A_701 = vector.broadcast %broadcast_in_dim3A_700 : i32 to vector<16xi32>
      %gather3A_702 = tpu.vector_load_idx %arg14[%add3A_346, %broadcast_in_dim3A_701] : memref<512x64xf32, #tpu.memory_space<vmem>>[vector<16xi32>, vector<16xi32>], vector<16xf32>,
      %gather3A_703 = tpu.vector_load_idx %arg15[%add3A_346, %broadcast_in_dim3A_701] : memref<512x64xf32, #tpu.memory_space<vmem>>[vector<16xi32>, vector<16xi32>], vector<16xf32>,
      %gather3A_704 = tpu.vector_load_idx %arg16[%add3A_346, %broadcast_in_dim3A_701] : memref<512x64xf32, #tpu.memory_space<vmem>>[vector<16xi32>, vector<16xi32>], vector<16xf32>,
      %mul3A_705 = arith.mulf %gather3A_702, %gather3A_703 : vector<16xf32>
      %add3A_706 = arith.addf %add3A_697, %mul3A_705 : vector<16xf32>
      %mul3A_707 = arith.mulf %gather3A_702, %gather3A_704 : vector<16xf32>
      %add3A_708 = arith.addf %add3A_699, %mul3A_707 : vector<16xf32>
      %broadcast_in_dim3A_709 = arith.constant 40 : i32
      %broadcast_in_dim3A_710 = vector.broadcast %broadcast_in_dim3A_709 : i32 to vector<16xi32>
      %gather3A_711 = tpu.vector_load_idx %arg14[%add3A_346, %broadcast_in_dim3A_710] : memref<512x64xf32, #tpu.memory_space<vmem>>[vector<16xi32>, vector<16xi32>], vector<16xf32>,
      %gather3A_712 = tpu.vector_load_idx %arg15[%add3A_346, %broadcast_in_dim3A_710] : memref<512x64xf32, #tpu.memory_space<vmem>>[vector<16xi32>, vector<16xi32>], vector<16xf32>,
      %gather3A_713 = tpu.vector_load_idx %arg16[%add3A_346, %broadcast_in_dim3A_710] : memref<512x64xf32, #tpu.memory_space<vmem>>[vector<16xi32>, vector<16xi32>], vector<16xf32>,
      %mul3A_714 = arith.mulf %gather3A_711, %gather3A_712 : vector<16xf32>
      %add3A_715 = arith.addf %add3A_706, %mul3A_714 : vector<16xf32>
      %mul3A_716 = arith.mulf %gather3A_711, %gather3A_713 : vector<16xf32>
      %add3A_717 = arith.addf %add3A_708, %mul3A_716 : vector<16xf32>
      %broadcast_in_dim3A_718 = arith.constant 41 : i32
      %broadcast_in_dim3A_719 = vector.broadcast %broadcast_in_dim3A_718 : i32 to vector<16xi32>
      %gather3A_720 = tpu.vector_load_idx %arg14[%add3A_346, %broadcast_in_dim3A_719] : memref<512x64xf32, #tpu.memory_space<vmem>>[vector<16xi32>, vector<16xi32>], vector<16xf32>,
      %gather3A_721 = tpu.vector_load_idx %arg15[%add3A_346, %broadcast_in_dim3A_719] : memref<512x64xf32, #tpu.memory_space<vmem>>[vector<16xi32>, vector<16xi32>], vector<16xf32>,
      %gather3A_722 = tpu.vector_load_idx %arg16[%add3A_346, %broadcast_in_dim3A_719] : memref<512x64xf32, #tpu.memory_space<vmem>>[vector<16xi32>, vector<16xi32>], vector<16xf32>,
      %mul3A_723 = arith.mulf %gather3A_720, %gather3A_721 : vector<16xf32>
      %add3A_724 = arith.addf %add3A_715, %mul3A_723 : vector<16xf32>
      %mul3A_725 = arith.mulf %gather3A_720, %gather3A_722 : vector<16xf32>
      %add3A_726 = arith.addf %add3A_717, %mul3A_725 : vector<16xf32>
      %broadcast_in_dim3A_727 = arith.constant 42 : i32
      %broadcast_in_dim3A_728 = vector.broadcast %broadcast_in_dim3A_727 : i32 to vector<16xi32>
      %gather3A_729 = tpu.vector_load_idx %arg14[%add3A_346, %broadcast_in_dim3A_728] : memref<512x64xf32, #tpu.memory_space<vmem>>[vector<16xi32>, vector<16xi32>], vector<16xf32>,
      %gather3A_730 = tpu.vector_load_idx %arg15[%add3A_346, %broadcast_in_dim3A_728] : memref<512x64xf32, #tpu.memory_space<vmem>>[vector<16xi32>, vector<16xi32>], vector<16xf32>,
      %gather3A_731 = tpu.vector_load_idx %arg16[%add3A_346, %broadcast_in_dim3A_728] : memref<512x64xf32, #tpu.memory_space<vmem>>[vector<16xi32>, vector<16xi32>], vector<16xf32>,
      %mul3A_732 = arith.mulf %gather3A_729, %gather3A_730 : vector<16xf32>
      %add3A_733 = arith.addf %add3A_724, %mul3A_732 : vector<16xf32>
      %mul3A_734 = arith.mulf %gather3A_729, %gather3A_731 : vector<16xf32>
      %add3A_735 = arith.addf %add3A_726, %mul3A_734 : vector<16xf32>
      %broadcast_in_dim3A_736 = arith.constant 43 : i32
      %broadcast_in_dim3A_737 = vector.broadcast %broadcast_in_dim3A_736 : i32 to vector<16xi32>
      %gather3A_738 = tpu.vector_load_idx %arg14[%add3A_346, %broadcast_in_dim3A_737] : memref<512x64xf32, #tpu.memory_space<vmem>>[vector<16xi32>, vector<16xi32>], vector<16xf32>,
      %gather3A_739 = tpu.vector_load_idx %arg15[%add3A_346, %broadcast_in_dim3A_737] : memref<512x64xf32, #tpu.memory_space<vmem>>[vector<16xi32>, vector<16xi32>], vector<16xf32>,
      %gather3A_740 = tpu.vector_load_idx %arg16[%add3A_346, %broadcast_in_dim3A_737] : memref<512x64xf32, #tpu.memory_space<vmem>>[vector<16xi32>, vector<16xi32>], vector<16xf32>,
      %mul3A_741 = arith.mulf %gather3A_738, %gather3A_739 : vector<16xf32>
      %add3A_742 = arith.addf %add3A_733, %mul3A_741 : vector<16xf32>
      %mul3A_743 = arith.mulf %gather3A_738, %gather3A_740 : vector<16xf32>
      %add3A_744 = arith.addf %add3A_735, %mul3A_743 : vector<16xf32>
      %broadcast_in_dim3A_745 = arith.constant 44 : i32
      %broadcast_in_dim3A_746 = vector.broadcast %broadcast_in_dim3A_745 : i32 to vector<16xi32>
      %gather3A_747 = tpu.vector_load_idx %arg14[%add3A_346, %broadcast_in_dim3A_746] : memref<512x64xf32, #tpu.memory_space<vmem>>[vector<16xi32>, vector<16xi32>], vector<16xf32>,
      %gather3A_748 = tpu.vector_load_idx %arg15[%add3A_346, %broadcast_in_dim3A_746] : memref<512x64xf32, #tpu.memory_space<vmem>>[vector<16xi32>, vector<16xi32>], vector<16xf32>,
      %gather3A_749 = tpu.vector_load_idx %arg16[%add3A_346, %broadcast_in_dim3A_746] : memref<512x64xf32, #tpu.memory_space<vmem>>[vector<16xi32>, vector<16xi32>], vector<16xf32>,
      %mul3A_750 = arith.mulf %gather3A_747, %gather3A_748 : vector<16xf32>
      %add3A_751 = arith.addf %add3A_742, %mul3A_750 : vector<16xf32>
      %mul3A_752 = arith.mulf %gather3A_747, %gather3A_749 : vector<16xf32>
      %add3A_753 = arith.addf %add3A_744, %mul3A_752 : vector<16xf32>
      %broadcast_in_dim3A_754 = arith.constant 45 : i32
      %broadcast_in_dim3A_755 = vector.broadcast %broadcast_in_dim3A_754 : i32 to vector<16xi32>
      %gather3A_756 = tpu.vector_load_idx %arg14[%add3A_346, %broadcast_in_dim3A_755] : memref<512x64xf32, #tpu.memory_space<vmem>>[vector<16xi32>, vector<16xi32>], vector<16xf32>,
      %gather3A_757 = tpu.vector_load_idx %arg15[%add3A_346, %broadcast_in_dim3A_755] : memref<512x64xf32, #tpu.memory_space<vmem>>[vector<16xi32>, vector<16xi32>], vector<16xf32>,
      %gather3A_758 = tpu.vector_load_idx %arg16[%add3A_346, %broadcast_in_dim3A_755] : memref<512x64xf32, #tpu.memory_space<vmem>>[vector<16xi32>, vector<16xi32>], vector<16xf32>,
      %mul3A_759 = arith.mulf %gather3A_756, %gather3A_757 : vector<16xf32>
      %add3A_760 = arith.addf %add3A_751, %mul3A_759 : vector<16xf32>
      %mul3A_761 = arith.mulf %gather3A_756, %gather3A_758 : vector<16xf32>
      %add3A_762 = arith.addf %add3A_753, %mul3A_761 : vector<16xf32>
      %broadcast_in_dim3A_763 = arith.constant 46 : i32
      %broadcast_in_dim3A_764 = vector.broadcast %broadcast_in_dim3A_763 : i32 to vector<16xi32>
      %gather3A_765 = tpu.vector_load_idx %arg14[%add3A_346, %broadcast_in_dim3A_764] : memref<512x64xf32, #tpu.memory_space<vmem>>[vector<16xi32>, vector<16xi32>], vector<16xf32>,
      %gather3A_766 = tpu.vector_load_idx %arg15[%add3A_346, %broadcast_in_dim3A_764] : memref<512x64xf32, #tpu.memory_space<vmem>>[vector<16xi32>, vector<16xi32>], vector<16xf32>,
      %gather3A_767 = tpu.vector_load_idx %arg16[%add3A_346, %broadcast_in_dim3A_764] : memref<512x64xf32, #tpu.memory_space<vmem>>[vector<16xi32>, vector<16xi32>], vector<16xf32>,
      %mul3A_768 = arith.mulf %gather3A_765, %gather3A_766 : vector<16xf32>
      %add3A_769 = arith.addf %add3A_760, %mul3A_768 : vector<16xf32>
      %mul3A_770 = arith.mulf %gather3A_765, %gather3A_767 : vector<16xf32>
      %add3A_771 = arith.addf %add3A_762, %mul3A_770 : vector<16xf32>
      %broadcast_in_dim3A_772 = arith.constant 47 : i32
      %broadcast_in_dim3A_773 = vector.broadcast %broadcast_in_dim3A_772 : i32 to vector<16xi32>
      %gather3A_774 = tpu.vector_load_idx %arg14[%add3A_346, %broadcast_in_dim3A_773] : memref<512x64xf32, #tpu.memory_space<vmem>>[vector<16xi32>, vector<16xi32>], vector<16xf32>,
      %gather3A_775 = tpu.vector_load_idx %arg15[%add3A_346, %broadcast_in_dim3A_773] : memref<512x64xf32, #tpu.memory_space<vmem>>[vector<16xi32>, vector<16xi32>], vector<16xf32>,
      %gather3A_776 = tpu.vector_load_idx %arg16[%add3A_346, %broadcast_in_dim3A_773] : memref<512x64xf32, #tpu.memory_space<vmem>>[vector<16xi32>, vector<16xi32>], vector<16xf32>,
      %mul3A_777 = arith.mulf %gather3A_774, %gather3A_775 : vector<16xf32>
      %add3A_778 = arith.addf %add3A_769, %mul3A_777 : vector<16xf32>
      %mul3A_779 = arith.mulf %gather3A_774, %gather3A_776 : vector<16xf32>
      %add3A_780 = arith.addf %add3A_771, %mul3A_779 : vector<16xf32>
      %broadcast_in_dim3A_781 = arith.constant 48 : i32
      %broadcast_in_dim3A_782 = vector.broadcast %broadcast_in_dim3A_781 : i32 to vector<16xi32>
      %gather3A_783 = tpu.vector_load_idx %arg14[%add3A_346, %broadcast_in_dim3A_782] : memref<512x64xf32, #tpu.memory_space<vmem>>[vector<16xi32>, vector<16xi32>], vector<16xf32>,
      %gather3A_784 = tpu.vector_load_idx %arg15[%add3A_346, %broadcast_in_dim3A_782] : memref<512x64xf32, #tpu.memory_space<vmem>>[vector<16xi32>, vector<16xi32>], vector<16xf32>,
      %gather3A_785 = tpu.vector_load_idx %arg16[%add3A_346, %broadcast_in_dim3A_782] : memref<512x64xf32, #tpu.memory_space<vmem>>[vector<16xi32>, vector<16xi32>], vector<16xf32>,
      %mul3A_786 = arith.mulf %gather3A_783, %gather3A_784 : vector<16xf32>
      %add3A_787 = arith.addf %add3A_778, %mul3A_786 : vector<16xf32>
      %mul3A_788 = arith.mulf %gather3A_783, %gather3A_785 : vector<16xf32>
      %add3A_789 = arith.addf %add3A_780, %mul3A_788 : vector<16xf32>
      %broadcast_in_dim3A_790 = arith.constant 49 : i32
      %broadcast_in_dim3A_791 = vector.broadcast %broadcast_in_dim3A_790 : i32 to vector<16xi32>
      %gather3A_792 = tpu.vector_load_idx %arg14[%add3A_346, %broadcast_in_dim3A_791] : memref<512x64xf32, #tpu.memory_space<vmem>>[vector<16xi32>, vector<16xi32>], vector<16xf32>,
      %gather3A_793 = tpu.vector_load_idx %arg15[%add3A_346, %broadcast_in_dim3A_791] : memref<512x64xf32, #tpu.memory_space<vmem>>[vector<16xi32>, vector<16xi32>], vector<16xf32>,
      %gather3A_794 = tpu.vector_load_idx %arg16[%add3A_346, %broadcast_in_dim3A_791] : memref<512x64xf32, #tpu.memory_space<vmem>>[vector<16xi32>, vector<16xi32>], vector<16xf32>,
      %mul3A_795 = arith.mulf %gather3A_792, %gather3A_793 : vector<16xf32>
      %add3A_796 = arith.addf %add3A_787, %mul3A_795 : vector<16xf32>
      %mul3A_797 = arith.mulf %gather3A_792, %gather3A_794 : vector<16xf32>
      %add3A_798 = arith.addf %add3A_789, %mul3A_797 : vector<16xf32>
      %broadcast_in_dim3A_799 = arith.constant 50 : i32
      %broadcast_in_dim3A_800 = vector.broadcast %broadcast_in_dim3A_799 : i32 to vector<16xi32>
      %gather3A_801 = tpu.vector_load_idx %arg14[%add3A_346, %broadcast_in_dim3A_800] : memref<512x64xf32, #tpu.memory_space<vmem>>[vector<16xi32>, vector<16xi32>], vector<16xf32>,
      %gather3A_802 = tpu.vector_load_idx %arg15[%add3A_346, %broadcast_in_dim3A_800] : memref<512x64xf32, #tpu.memory_space<vmem>>[vector<16xi32>, vector<16xi32>], vector<16xf32>,
      %gather3A_803 = tpu.vector_load_idx %arg16[%add3A_346, %broadcast_in_dim3A_800] : memref<512x64xf32, #tpu.memory_space<vmem>>[vector<16xi32>, vector<16xi32>], vector<16xf32>,
      %mul3A_804 = arith.mulf %gather3A_801, %gather3A_802 : vector<16xf32>
      %add3A_805 = arith.addf %add3A_796, %mul3A_804 : vector<16xf32>
      %mul3A_806 = arith.mulf %gather3A_801, %gather3A_803 : vector<16xf32>
      %add3A_807 = arith.addf %add3A_798, %mul3A_806 : vector<16xf32>
      %broadcast_in_dim3A_808 = arith.constant 51 : i32
      %broadcast_in_dim3A_809 = vector.broadcast %broadcast_in_dim3A_808 : i32 to vector<16xi32>
      %gather3A_810 = tpu.vector_load_idx %arg14[%add3A_346, %broadcast_in_dim3A_809] : memref<512x64xf32, #tpu.memory_space<vmem>>[vector<16xi32>, vector<16xi32>], vector<16xf32>,
      %gather3A_811 = tpu.vector_load_idx %arg15[%add3A_346, %broadcast_in_dim3A_809] : memref<512x64xf32, #tpu.memory_space<vmem>>[vector<16xi32>, vector<16xi32>], vector<16xf32>,
      %gather3A_812 = tpu.vector_load_idx %arg16[%add3A_346, %broadcast_in_dim3A_809] : memref<512x64xf32, #tpu.memory_space<vmem>>[vector<16xi32>, vector<16xi32>], vector<16xf32>,
      %mul3A_813 = arith.mulf %gather3A_810, %gather3A_811 : vector<16xf32>
      %add3A_814 = arith.addf %add3A_805, %mul3A_813 : vector<16xf32>
      %mul3A_815 = arith.mulf %gather3A_810, %gather3A_812 : vector<16xf32>
      %add3A_816 = arith.addf %add3A_807, %mul3A_815 : vector<16xf32>
      %broadcast_in_dim3A_817 = arith.constant 52 : i32
      %broadcast_in_dim3A_818 = vector.broadcast %broadcast_in_dim3A_817 : i32 to vector<16xi32>
      %gather3A_819 = tpu.vector_load_idx %arg14[%add3A_346, %broadcast_in_dim3A_818] : memref<512x64xf32, #tpu.memory_space<vmem>>[vector<16xi32>, vector<16xi32>], vector<16xf32>,
      %gather3A_820 = tpu.vector_load_idx %arg15[%add3A_346, %broadcast_in_dim3A_818] : memref<512x64xf32, #tpu.memory_space<vmem>>[vector<16xi32>, vector<16xi32>], vector<16xf32>,
      %gather3A_821 = tpu.vector_load_idx %arg16[%add3A_346, %broadcast_in_dim3A_818] : memref<512x64xf32, #tpu.memory_space<vmem>>[vector<16xi32>, vector<16xi32>], vector<16xf32>,
      %mul3A_822 = arith.mulf %gather3A_819, %gather3A_820 : vector<16xf32>
      %add3A_823 = arith.addf %add3A_814, %mul3A_822 : vector<16xf32>
      %mul3A_824 = arith.mulf %gather3A_819, %gather3A_821 : vector<16xf32>
      %add3A_825 = arith.addf %add3A_816, %mul3A_824 : vector<16xf32>
      %broadcast_in_dim3A_826 = arith.constant 53 : i32
      %broadcast_in_dim3A_827 = vector.broadcast %broadcast_in_dim3A_826 : i32 to vector<16xi32>
      %gather3A_828 = tpu.vector_load_idx %arg14[%add3A_346, %broadcast_in_dim3A_827] : memref<512x64xf32, #tpu.memory_space<vmem>>[vector<16xi32>, vector<16xi32>], vector<16xf32>,
      %gather3A_829 = tpu.vector_load_idx %arg15[%add3A_346, %broadcast_in_dim3A_827] : memref<512x64xf32, #tpu.memory_space<vmem>>[vector<16xi32>, vector<16xi32>], vector<16xf32>,
      %gather3A_830 = tpu.vector_load_idx %arg16[%add3A_346, %broadcast_in_dim3A_827] : memref<512x64xf32, #tpu.memory_space<vmem>>[vector<16xi32>, vector<16xi32>], vector<16xf32>,
      %mul3A_831 = arith.mulf %gather3A_828, %gather3A_829 : vector<16xf32>
      %add3A_832 = arith.addf %add3A_823, %mul3A_831 : vector<16xf32>
      %mul3A_833 = arith.mulf %gather3A_828, %gather3A_830 : vector<16xf32>
      %add3A_834 = arith.addf %add3A_825, %mul3A_833 : vector<16xf32>
      %broadcast_in_dim3A_835 = arith.constant 54 : i32
      %broadcast_in_dim3A_836 = vector.broadcast %broadcast_in_dim3A_835 : i32 to vector<16xi32>
      %gather3A_837 = tpu.vector_load_idx %arg14[%add3A_346, %broadcast_in_dim3A_836] : memref<512x64xf32, #tpu.memory_space<vmem>>[vector<16xi32>, vector<16xi32>], vector<16xf32>,
      %gather3A_838 = tpu.vector_load_idx %arg15[%add3A_346, %broadcast_in_dim3A_836] : memref<512x64xf32, #tpu.memory_space<vmem>>[vector<16xi32>, vector<16xi32>], vector<16xf32>,
      %gather3A_839 = tpu.vector_load_idx %arg16[%add3A_346, %broadcast_in_dim3A_836] : memref<512x64xf32, #tpu.memory_space<vmem>>[vector<16xi32>, vector<16xi32>], vector<16xf32>,
      %mul3A_840 = arith.mulf %gather3A_837, %gather3A_838 : vector<16xf32>
      %add3A_841 = arith.addf %add3A_832, %mul3A_840 : vector<16xf32>
      %mul3A_842 = arith.mulf %gather3A_837, %gather3A_839 : vector<16xf32>
      %add3A_843 = arith.addf %add3A_834, %mul3A_842 : vector<16xf32>
      %broadcast_in_dim3A_844 = arith.constant 55 : i32
      %broadcast_in_dim3A_845 = vector.broadcast %broadcast_in_dim3A_844 : i32 to vector<16xi32>
      %gather3A_846 = tpu.vector_load_idx %arg14[%add3A_346, %broadcast_in_dim3A_845] : memref<512x64xf32, #tpu.memory_space<vmem>>[vector<16xi32>, vector<16xi32>], vector<16xf32>,
      %gather3A_847 = tpu.vector_load_idx %arg15[%add3A_346, %broadcast_in_dim3A_845] : memref<512x64xf32, #tpu.memory_space<vmem>>[vector<16xi32>, vector<16xi32>], vector<16xf32>,
      %gather3A_848 = tpu.vector_load_idx %arg16[%add3A_346, %broadcast_in_dim3A_845] : memref<512x64xf32, #tpu.memory_space<vmem>>[vector<16xi32>, vector<16xi32>], vector<16xf32>,
      %mul3A_849 = arith.mulf %gather3A_846, %gather3A_847 : vector<16xf32>
      %add3A_850 = arith.addf %add3A_841, %mul3A_849 : vector<16xf32>
      %mul3A_851 = arith.mulf %gather3A_846, %gather3A_848 : vector<16xf32>
      %add3A_852 = arith.addf %add3A_843, %mul3A_851 : vector<16xf32>
      %broadcast_in_dim3A_853 = arith.constant 56 : i32
      %broadcast_in_dim3A_854 = vector.broadcast %broadcast_in_dim3A_853 : i32 to vector<16xi32>
      %gather3A_855 = tpu.vector_load_idx %arg14[%add3A_346, %broadcast_in_dim3A_854] : memref<512x64xf32, #tpu.memory_space<vmem>>[vector<16xi32>, vector<16xi32>], vector<16xf32>,
      %gather3A_856 = tpu.vector_load_idx %arg15[%add3A_346, %broadcast_in_dim3A_854] : memref<512x64xf32, #tpu.memory_space<vmem>>[vector<16xi32>, vector<16xi32>], vector<16xf32>,
      %gather3A_857 = tpu.vector_load_idx %arg16[%add3A_346, %broadcast_in_dim3A_854] : memref<512x64xf32, #tpu.memory_space<vmem>>[vector<16xi32>, vector<16xi32>], vector<16xf32>,
      %mul3A_858 = arith.mulf %gather3A_855, %gather3A_856 : vector<16xf32>
      %add3A_859 = arith.addf %add3A_850, %mul3A_858 : vector<16xf32>
      %mul3A_860 = arith.mulf %gather3A_855, %gather3A_857 : vector<16xf32>
      %add3A_861 = arith.addf %add3A_852, %mul3A_860 : vector<16xf32>
      %broadcast_in_dim3A_862 = arith.constant 57 : i32
      %broadcast_in_dim3A_863 = vector.broadcast %broadcast_in_dim3A_862 : i32 to vector<16xi32>
      %gather3A_864 = tpu.vector_load_idx %arg14[%add3A_346, %broadcast_in_dim3A_863] : memref<512x64xf32, #tpu.memory_space<vmem>>[vector<16xi32>, vector<16xi32>], vector<16xf32>,
      %gather3A_865 = tpu.vector_load_idx %arg15[%add3A_346, %broadcast_in_dim3A_863] : memref<512x64xf32, #tpu.memory_space<vmem>>[vector<16xi32>, vector<16xi32>], vector<16xf32>,
      %gather3A_866 = tpu.vector_load_idx %arg16[%add3A_346, %broadcast_in_dim3A_863] : memref<512x64xf32, #tpu.memory_space<vmem>>[vector<16xi32>, vector<16xi32>], vector<16xf32>,
      %mul3A_867 = arith.mulf %gather3A_864, %gather3A_865 : vector<16xf32>
      %add3A_868 = arith.addf %add3A_859, %mul3A_867 : vector<16xf32>
      %mul3A_869 = arith.mulf %gather3A_864, %gather3A_866 : vector<16xf32>
      %add3A_870 = arith.addf %add3A_861, %mul3A_869 : vector<16xf32>
      %broadcast_in_dim3A_871 = arith.constant 58 : i32
      %broadcast_in_dim3A_872 = vector.broadcast %broadcast_in_dim3A_871 : i32 to vector<16xi32>
      %gather3A_873 = tpu.vector_load_idx %arg14[%add3A_346, %broadcast_in_dim3A_872] : memref<512x64xf32, #tpu.memory_space<vmem>>[vector<16xi32>, vector<16xi32>], vector<16xf32>,
      %gather3A_874 = tpu.vector_load_idx %arg15[%add3A_346, %broadcast_in_dim3A_872] : memref<512x64xf32, #tpu.memory_space<vmem>>[vector<16xi32>, vector<16xi32>], vector<16xf32>,
      %gather3A_875 = tpu.vector_load_idx %arg16[%add3A_346, %broadcast_in_dim3A_872] : memref<512x64xf32, #tpu.memory_space<vmem>>[vector<16xi32>, vector<16xi32>], vector<16xf32>,
      %mul3A_876 = arith.mulf %gather3A_873, %gather3A_874 : vector<16xf32>
      %add3A_877 = arith.addf %add3A_868, %mul3A_876 : vector<16xf32>
      %mul3A_878 = arith.mulf %gather3A_873, %gather3A_875 : vector<16xf32>
      %add3A_879 = arith.addf %add3A_870, %mul3A_878 : vector<16xf32>
      %broadcast_in_dim3A_880 = arith.constant 59 : i32
      %broadcast_in_dim3A_881 = vector.broadcast %broadcast_in_dim3A_880 : i32 to vector<16xi32>
      %gather3A_882 = tpu.vector_load_idx %arg14[%add3A_346, %broadcast_in_dim3A_881] : memref<512x64xf32, #tpu.memory_space<vmem>>[vector<16xi32>, vector<16xi32>], vector<16xf32>,
      %gather3A_883 = tpu.vector_load_idx %arg15[%add3A_346, %broadcast_in_dim3A_881] : memref<512x64xf32, #tpu.memory_space<vmem>>[vector<16xi32>, vector<16xi32>], vector<16xf32>,
      %gather3A_884 = tpu.vector_load_idx %arg16[%add3A_346, %broadcast_in_dim3A_881] : memref<512x64xf32, #tpu.memory_space<vmem>>[vector<16xi32>, vector<16xi32>], vector<16xf32>,
      %mul3A_885 = arith.mulf %gather3A_882, %gather3A_883 : vector<16xf32>
      %add3A_886 = arith.addf %add3A_877, %mul3A_885 : vector<16xf32>
      %mul3A_887 = arith.mulf %gather3A_882, %gather3A_884 : vector<16xf32>
      %add3A_888 = arith.addf %add3A_879, %mul3A_887 : vector<16xf32>
      %broadcast_in_dim3A_889 = arith.constant 60 : i32
      %broadcast_in_dim3A_890 = vector.broadcast %broadcast_in_dim3A_889 : i32 to vector<16xi32>
      %gather3A_891 = tpu.vector_load_idx %arg14[%add3A_346, %broadcast_in_dim3A_890] : memref<512x64xf32, #tpu.memory_space<vmem>>[vector<16xi32>, vector<16xi32>], vector<16xf32>,
      %gather3A_892 = tpu.vector_load_idx %arg15[%add3A_346, %broadcast_in_dim3A_890] : memref<512x64xf32, #tpu.memory_space<vmem>>[vector<16xi32>, vector<16xi32>], vector<16xf32>,
      %gather3A_893 = tpu.vector_load_idx %arg16[%add3A_346, %broadcast_in_dim3A_890] : memref<512x64xf32, #tpu.memory_space<vmem>>[vector<16xi32>, vector<16xi32>], vector<16xf32>,
      %mul3A_894 = arith.mulf %gather3A_891, %gather3A_892 : vector<16xf32>
      %add3A_895 = arith.addf %add3A_886, %mul3A_894 : vector<16xf32>
      %mul3A_896 = arith.mulf %gather3A_891, %gather3A_893 : vector<16xf32>
      %add3A_897 = arith.addf %add3A_888, %mul3A_896 : vector<16xf32>
      %broadcast_in_dim3A_898 = arith.constant 61 : i32
      %broadcast_in_dim3A_899 = vector.broadcast %broadcast_in_dim3A_898 : i32 to vector<16xi32>
      %gather3A_900 = tpu.vector_load_idx %arg14[%add3A_346, %broadcast_in_dim3A_899] : memref<512x64xf32, #tpu.memory_space<vmem>>[vector<16xi32>, vector<16xi32>], vector<16xf32>,
      %gather3A_901 = tpu.vector_load_idx %arg15[%add3A_346, %broadcast_in_dim3A_899] : memref<512x64xf32, #tpu.memory_space<vmem>>[vector<16xi32>, vector<16xi32>], vector<16xf32>,
      %gather3A_902 = tpu.vector_load_idx %arg16[%add3A_346, %broadcast_in_dim3A_899] : memref<512x64xf32, #tpu.memory_space<vmem>>[vector<16xi32>, vector<16xi32>], vector<16xf32>,
      %mul3A_903 = arith.mulf %gather3A_900, %gather3A_901 : vector<16xf32>
      %add3A_904 = arith.addf %add3A_895, %mul3A_903 : vector<16xf32>
      %mul3A_905 = arith.mulf %gather3A_900, %gather3A_902 : vector<16xf32>
      %add3A_906 = arith.addf %add3A_897, %mul3A_905 : vector<16xf32>
      %broadcast_in_dim3A_907 = arith.constant 62 : i32
      %broadcast_in_dim3A_908 = vector.broadcast %broadcast_in_dim3A_907 : i32 to vector<16xi32>
      %gather3A_909 = tpu.vector_load_idx %arg14[%add3A_346, %broadcast_in_dim3A_908] : memref<512x64xf32, #tpu.memory_space<vmem>>[vector<16xi32>, vector<16xi32>], vector<16xf32>,
      %gather3A_910 = tpu.vector_load_idx %arg15[%add3A_346, %broadcast_in_dim3A_908] : memref<512x64xf32, #tpu.memory_space<vmem>>[vector<16xi32>, vector<16xi32>], vector<16xf32>,
      %gather3A_911 = tpu.vector_load_idx %arg16[%add3A_346, %broadcast_in_dim3A_908] : memref<512x64xf32, #tpu.memory_space<vmem>>[vector<16xi32>, vector<16xi32>], vector<16xf32>,
      %mul3A_912 = arith.mulf %gather3A_909, %gather3A_910 : vector<16xf32>
      %add3A_913 = arith.addf %add3A_904, %mul3A_912 : vector<16xf32>
      %mul3A_914 = arith.mulf %gather3A_909, %gather3A_911 : vector<16xf32>
      %add3A_915 = arith.addf %add3A_906, %mul3A_914 : vector<16xf32>
      %broadcast_in_dim3A_916 = arith.constant 63 : i32
      %broadcast_in_dim3A_917 = vector.broadcast %broadcast_in_dim3A_916 : i32 to vector<16xi32>
      %gather3A_918 = tpu.vector_load_idx %arg14[%add3A_346, %broadcast_in_dim3A_917] : memref<512x64xf32, #tpu.memory_space<vmem>>[vector<16xi32>, vector<16xi32>], vector<16xf32>,
      %gather3A_919 = tpu.vector_load_idx %arg15[%add3A_346, %broadcast_in_dim3A_917] : memref<512x64xf32, #tpu.memory_space<vmem>>[vector<16xi32>, vector<16xi32>], vector<16xf32>,
      %gather3A_920 = tpu.vector_load_idx %arg16[%add3A_346, %broadcast_in_dim3A_917] : memref<512x64xf32, #tpu.memory_space<vmem>>[vector<16xi32>, vector<16xi32>], vector<16xf32>,
      %mul3A_921 = arith.mulf %gather3A_918, %gather3A_919 : vector<16xf32>
      %add3A_922 = arith.addf %add3A_913, %mul3A_921 : vector<16xf32>
      %mul3A_923 = arith.mulf %gather3A_918, %gather3A_920 : vector<16xf32>
      %add3A_924 = arith.addf %add3A_915, %mul3A_923 : vector<16xf32>
      %mul3A_925 = arith.constant 16 : i32
      %mul3A_926 = arith.muli %scan3A_342, %mul3A_925 : i32
      %get3A = arith.index_cast %mul3A_926 : i32 to index
      %get3A_927 = tpu.vector_load %arg17[%get3A] {strides = array<i32>} : memref<512xf32, #tpu.memory_space<vmem>>, vector<16xf32>,
      %add3A_928 = arith.addf %add3A_922, %get3A_927 : vector<16xf32>
      %get3A_929 = arith.index_cast %mul3A_926 : i32 to index
      %get3A_930 = tpu.vector_load %arg18[%get3A_929] {strides = array<i32>} : memref<512xf32, #tpu.memory_space<vmem>>, vector<16xf32>,
      %add3A_931 = arith.addf %add3A_928, %get3A_930 : vector<16xf32>
      %swap3A = arith.index_cast %mul3A_926 : i32 to index
      %swap3A_932 = tpu.vector_load %arg20[%swap3A] {strides = array<i32>} : memref<512xf32, #tpu.memory_space<vmem>>, vector<16xf32>,
      tpu.vector_store %arg20[%swap3A], %add3A_931 {strides = array<i32>} : memref<512xf32, #tpu.memory_space<vmem>>, vector<16xf32>,
      %add3A_933 = arith.addf %add3A_924, %get3A_927 : vector<16xf32>
      %get3A_934 = arith.index_cast %mul3A_926 : i32 to index
      %get3A_935 = tpu.vector_load %arg19[%get3A_934] {strides = array<i32>} : memref<512xf32, #tpu.memory_space<vmem>>, vector<16xf32>,
      %add3A_936 = arith.addf %add3A_933, %get3A_935 : vector<16xf32>
      %swap3A_937 = arith.index_cast %mul3A_926 : i32 to index
      %swap3A_938 = tpu.vector_load %arg21[%swap3A_937] {strides = array<i32>} : memref<512xf32, #tpu.memory_space<vmem>>, vector<16xf32>,
      tpu.vector_store %arg21[%swap3A_937], %add3A_936 {strides = array<i32>} : memref<512xf32, #tpu.memory_space<vmem>>, vector<16xf32>,
    }
    %scan3A_341 = arith.constant 32 : i32
    "tpu.region"() ({
      %run_scoped3A = tpu.sem_alloc : memref<!tpu.dma_semaphore, #tpu.memory_space<semaphore_mem>>
      %dma_start3A_342 = tpu.memref_slice %arg9[%mul3A_2] : memref<16384xf32, #tpu.memory_space<hbm>> -> memref<512xf32, #tpu.memory_space<hbm>>
      %dma_start3A_343 = tpu.memref_slice %arg9[%mul3A_2] : memref<16384xf32, #tpu.memory_space<hbm>> -> memref<512xf32, #tpu.memory_space<hbm>>
      tpu.enqueue_dma source(%arg20 : memref<512xf32, #tpu.memory_space<vmem>>) target(%dma_start3A_343 : memref<512xf32, #tpu.memory_space<hbm>>) target_semaphore(%run_scoped3A : memref<!tpu.dma_semaphore, #tpu.memory_space<semaphore_mem>>)
      %dma_wait3A_344 = tpu.memref_slice %arg9[%mul3A_2] : memref<16384xf32, #tpu.memory_space<hbm>> -> memref<512xf32, #tpu.memory_space<hbm>>
      %dma_wait3A_345 = tpu.memref_slice %arg9[%mul3A_2] : memref<16384xf32, #tpu.memory_space<hbm>> -> memref<512xf32, #tpu.memory_space<hbm>>
      tpu.wait_dma2 semaphore(%run_scoped3A : memref<!tpu.dma_semaphore, #tpu.memory_space<semaphore_mem>>) src(%arg20 : memref<512xf32, #tpu.memory_space<vmem>>) dst(%dma_wait3A_345 : memref<512xf32, #tpu.memory_space<hbm>>)
      tpu.yield
    }) : () -> ()
    "tpu.region"() ({
      %run_scoped3A = tpu.sem_alloc : memref<!tpu.dma_semaphore, #tpu.memory_space<semaphore_mem>>
      %dma_start3A_342 = tpu.memref_slice %arg10[%mul3A_2] : memref<16384xf32, #tpu.memory_space<hbm>> -> memref<512xf32, #tpu.memory_space<hbm>>
      %dma_start3A_343 = tpu.memref_slice %arg10[%mul3A_2] : memref<16384xf32, #tpu.memory_space<hbm>> -> memref<512xf32, #tpu.memory_space<hbm>>
      tpu.enqueue_dma source(%arg21 : memref<512xf32, #tpu.memory_space<vmem>>) target(%dma_start3A_343 : memref<512xf32, #tpu.memory_space<hbm>>) target_semaphore(%run_scoped3A : memref<!tpu.dma_semaphore, #tpu.memory_space<semaphore_mem>>)
      %dma_wait3A_344 = tpu.memref_slice %arg10[%mul3A_2] : memref<16384xf32, #tpu.memory_space<hbm>> -> memref<512xf32, #tpu.memory_space<hbm>>
      %dma_wait3A_345 = tpu.memref_slice %arg10[%mul3A_2] : memref<16384xf32, #tpu.memory_space<hbm>> -> memref<512xf32, #tpu.memory_space<hbm>>
      tpu.wait_dma2 semaphore(%run_scoped3A : memref<!tpu.dma_semaphore, #tpu.memory_space<semaphore_mem>>) src(%arg21 : memref<512xf32, #tpu.memory_space<vmem>>) dst(%dma_wait3A_345 : memref<512xf32, #tpu.memory_space<hbm>>)
      tpu.yield
    }) : () -> ()
    return
  }
}

</mosaic_0001>

<sc_bundles>
// kernel: _run.3.cloned.1.call-start
scs
__scs_entry_jumppad:
0x0: {  	(pc) =	sbr.rel $0x88, $3  }
0x1: {  	(tag) =	ssettag $0x0;
	lr =	simm.s32 $0x1  }
0x2: {  	[smem:$0x3F9A] =	sst lr;
	_ =	strace $0xD0000000  }
0x3: {  	_ = 	snop  }
0x4: {  	_ = 	snop  }
0x5: {  	_ = 	snop  }
0x6: {  	_ = 	snop  }
0x7: {  	_ = 	snop  }
__scs_overlays_trampoline_lowered:
0x8: {  	[smem:$0x3FA9] =	sst s0  }
0x9: {  	[smem:$0x3FAA] =	sst s1  }
0xa: {  	[smem:$0x3FAB] =	sst s2  }
0xb: {  	[smem:$0x3FAC] =	sst s3  }
0xc: {  	[smem:$0x3FAD] =	sst s4  }
0xd: {  	[smem:$0x3FAE] =	sst s5  }
0xe: {  	[smem:$0x3FAF] =	sst s6  }
0xf: {  	[smem:$0x3FB0] =	sst s7  }
0x10: {  	[smem:$0x3FB1] =	sst s8  }
0x11: {  	[smem:$0x3FB2] =	sst s9;
	s0 =	simm.s32 @!p0 $0x0  }
0x12: {  	s1 =	sld [smem:$0x3F98];
	s0 =	simm.s32 @p0 $0x1  }
0x13: {  	[smem:$0x3FB3] =	sst s0;
	s0 =	simm.s32 @!p1 $0x0  }
0x14: {  	s2 =	sld [smem:$0x3F97];
	s0 =	simm.s32 @p1 $0x1  }
0x15: {  	[smem:$0x3FB4] =	sst s0;
	s0 =	simm.s32 @!p2 $0x0  }
0x16: {  	s3 =	sld [smem:$0x3FDB];
	s0 =	simm.s32 @p2 $0x1  }
0x17: {  	s4 =	simm.s32 $0x1BF5;
	[smem:$0x3FB6] =	sst s0  }
0x18: {  	s0 =	sld [smem:$0x3F99];
	_ =	swait.ge [sflag:s4], $0x0  }
0x19: {  	s7 =	sld [smem:$0x3F9A]  }
0x1a: {  	s8 =	sadd.s32 $0xFFFFE003, lr  }
0x1b: {  	s9 =	sadd.s32 $0xFFFFFEF7, lr;
	s5 =	simm.s32 $0xFFFFFFFF;
	p2 =	slt.u32 s8, $0xFFFFF086  }
0x1c: {  	p1 =	slt.u32 s9, $0xF7A;
	s5 =	simm.s32 @!p2 $0x0  }
0x1d: {  	s5 =	simm.s32 @p1 $0x1;
	p0 =	seq.s32 s7, s2  }
0x1e: {  	s7 =	smul.u32 @!p0 $0xF7A, s2;
	p2 =	seq.s32 @!p0 s5, $0x0  }
0x1f: {  	s9 =	smul.u32 $0xF7A, s1;
	s8 =	simm.s32 @!p0 $0x1BF5;
	p2 =	por !p2, p0  }
0x20: {  	[sflag:s8] =	ssyncset.s32 @!p0 $0xFFFFF086;
	s6 =	sadd.s32 @!p0 s3, s7;
	s7 =	simm.s32 @!p0 $0x108  }
0x21: {  	s3 =	sadd.s32 s3, s9;
	s6 =	sadd.s32 @!p0 $0x88, s6;
	s7 =	simm.s32 @p2 $0x1082  }
0x22: {  	[simem:s7], [sflag:s8] =	dma.local @!p0 [hbm:s6], $0xF7A  }
0x23: {  	s9 =	sor.u32 $0xD0000000, s2;
	s6 =	simm.s32 $0x108;
	_ =	swait.ge @!p0 [sflag:s8], $0x0  }
0x24: {  	s3 =	sadd.s32 $0x88, s3;
	s6 =	simm.s32 @!p1 $0x1082;
	[sflag:s4] =	ssyncset.s32 $0xFFFFF086  }
0x25: {  	[simem:s6], [sflag:s4] =	dma.local [hbm:s3], $0xF7A  }
0x26: {  	[smem:$0x3F9A] =	sst s1;
	(tag) =	ssettag s2;
	_ =	strace s9  }
0x27: {  	s1 =	sld [smem:$0x3FAA]  }
0x28: {  	s2 =	sld [smem:$0x3FAB]  }
0x29: {  	s4 =	sld [smem:$0x3FAD]  }
0x2a: {  	p0 =	seq.s32 s5, $0x0;
	s5 =	sld [smem:$0x3FAE]  }
0x2b: {  	s6 =	sld [smem:$0x3FAF]  }
0x2c: {  	s7 =	sld [smem:$0x3FB0]  }
0x2d: {  	s3 =	simm.s32 $0x108;
	s8 =	sld [smem:$0x3FB1]  }
0x2e: {  	s3 =	simm.s32 @!p0 $0x1082;
	s9 =	sld [smem:$0x3FB2]  }
0x2f: {  	lr =	sadd.s32 s0, s3;
	s0 =	sld [smem:$0x3FA9]  }
0x30: {  	s3 =	sld [smem:$0x3FAC]  }
0x31: {  	[smem:$0x3FB5] =	sst s10  }
0x32: {  	s10 =	sld [smem:$0x3FB3];
	_ =	sdelay $0x3  }
0x33: {  	p0 =	seq.s32 s10, $0x1;
	s10 =	sld [smem:$0x3FB5];
	_ =	sdelay $0x3  }
0x34: {  	[smem:$0x3FB5] =	sst s10  }
0x35: {  	s10 =	sld [smem:$0x3FB4];
	_ =	sdelay $0x3  }
0x36: {  	p1 =	seq.s32 s10, $0x1;
	s10 =	sld [smem:$0x3FB5];
	_ =	sdelay $0x3  }
0x37: {  	[smem:$0x3FB5] =	sst s10  }
0x38: {  	s10 =	sld [smem:$0x3FB6]  }
0x39: {  	_ = 	snop;
	(pc) =	sbr.ind lr, $3  }
0x3a: {  	_ = 	snop  }
0x3b: {  	_ = 	snop  }
0x3c: {  	p2 =	seq.s32 s10, $0x1;
	s10 =	sld [smem:$0x3FB5]  }
0x3d: {  	_ =	shalt  }
0x3e: {  	_ =	shalt  }
0x3f: {  	_ =	shalt  }
0x40: {  	_ =	shalt  }
0x41: {  	_ =	shalt  }
0x42: {  	_ =	shalt  }
0x43: {  	_ =	shalt  }
0x44: {  	_ =	shalt  }
0x45: {  	_ =	shalt  }
0x46: {  	_ =	shalt  }
0x47: {  	_ =	shalt  }
0x48: {  	_ =	shalt  }
0x49: {  	_ =	shalt  }
0x4a: {  	_ =	shalt  }
0x4b: {  	_ =	shalt  }
0x4c: {  	_ =	shalt  }
0x4d: {  	_ =	shalt  }
0x4e: {  	_ =	shalt  }
0x4f: {  	_ =	shalt  }
0x50: {  	_ =	shalt  }
0x51: {  	_ =	shalt  }
0x52: {  	_ =	shalt  }
0x53: {  	_ =	shalt  }
0x54: {  	_ =	shalt  }
0x55: {  	_ =	shalt  }
0x56: {  	_ =	shalt  }
0x57: {  	_ =	shalt  }
0x58: {  	_ =	shalt  }
0x59: {  	_ =	shalt  }
0x5a: {  	_ =	shalt  }
0x5b: {  	_ =	shalt  }
0x5c: {  	_ =	shalt  }
0x5d: {  	_ =	shalt  }
0x5e: {  	_ =	shalt  }
0x5f: {  	_ =	shalt  }
0x60: {  	_ =	shalt  }
0x61: {  	_ =	shalt  }
0x62: {  	_ =	shalt  }
0x63: {  	_ =	shalt  }
0x64: {  	_ =	shalt  }
0x65: {  	_ =	shalt  }
0x66: {  	_ =	shalt  }
0x67: {  	_ =	shalt  }
0x68: {  	_ =	shalt  }
0x69: {  	_ =	shalt  }
0x6a: {  	_ =	shalt  }
0x6b: {  	_ =	shalt  }
0x6c: {  	_ =	shalt  }
0x6d: {  	_ =	shalt  }
0x6e: {  	_ =	shalt  }
0x6f: {  	_ =	shalt  }
0x70: {  	_ =	shalt  }
0x71: {  	_ =	shalt  }
0x72: {  	_ =	shalt  }
0x73: {  	_ =	shalt  }
0x74: {  	_ =	shalt  }
0x75: {  	_ =	shalt  }
0x76: {  	_ =	shalt  }
0x77: {  	_ =	shalt  }
0x78: {  	_ =	shalt  }
0x79: {  	_ =	shalt  }
0x7a: {  	_ =	shalt  }
0x7b: {  	_ =	shalt  }
0x7c: {  	_ =	shalt  }
0x7d: {  	_ =	shalt  }
0x7e: {  	_ =	shalt  }
0x7f: {  	_ =	shalt  }
0x80: {  	_ =	shalt  }
0x81: {  	_ =	shalt  }
0x82: {  	_ =	shalt  }
0x83: {  	_ =	shalt  }
0x84: {  	_ =	shalt  }
0x85: {  	_ =	shalt  }
0x86: {  	_ =	shalt  }
0x87: {  	_ =	shalt  }
.Lfunc_end0:
.L_simem_size_0:
called_computation_lowered:
.L_overlay_start_0:
0x88: {  	s2 =	sld [smem:$0x3FD9]  }
0x89: {  	s3 =	sld [smem:$0x3FFE];
	_ =	sdelay $0x1  }
0x8a: {  	s1 =	srdreg.scid  }
0x8b: {  	s0 =	sand.u32 $0x1, s1  }
0x8c: {  	s14 =	sshll.u32 s0, $0xA;
	s2 =	sadd.s32 s3, s2  }
0x8d: {  	s2 =	sadd.s32 s2, s14  }
0x8e: {  	[smem:$0x3FC1] =	sst s2  }
0x8f: {  	_ = 	snop  }
0x90: {  	s2 =	sld [smem:$0x3FC9]  }
0x91: {  	s15 =	sld [smem:$0x3FC8]  }
0x92: {  	s4 =	sld [smem:$0x3FD0]  }
0x93: {  	s5 =	sld [smem:$0x3FC7]  }
0x94: {  	s6 =	sld [smem:$0x3FC4]  }
0x95: {  	s8 =	simm.s32 $0xA;
	s9 =	simm.s32 $0x10;
	s7 =	sld [smem:$0x3FC3]  }
0x96: {  	[smem:s9], [sflag:s8] =	dma.local [hbm:s4], $0x1  }
0x97: {  	_ =	swait.eq [sflag:s8], $0x1  }
0x98: {  	[sflag:s8] =	ssyncset.done $0x0  }
0x99: {  	s16 =	sld [smem:$0x10];
	[sflag:s8] =	ssyncadd.s32 $0xFFFFFFFF  }
0x9a: {  	s17 =	sld [smem:$0x11];
	(tm) =	ssettm $0x1  }
0x9b: {  	s18 =	sld [smem:$0x3FFB];
	_ =	sdelay $0x3  }
0x9c: {  	_ =	strace s18  }
0x9d: {  	s9 =	sld [smem:$0x3FFC];
	_ =	sdelay $0x3  }
0x9e: {  	_ =	strace s9  }
0x9f: {  	s9 =	sld [smem:$0x3FFD];
	_ =	sdelay $0x3  }
0xa0: {  	_ =	strace s9  }
0xa1: {  	_ =	strace $0x8FFFFFFF  }
0xa2: {  	s19 =	sld [smem:$0x3FDB];
	_ =	sdelay $0x1  }
0xa3: {  	s10 =	simm.s32 $_scs_section_size  }
0xa4: {  	s11 =	simm.s32 $_size__tile_overlayer_lowered;
	s12 =	simm.s32 $_tile_overlayer_lowered  }
0xa5: {  	s22 =	simm.s32 $0x1BFF;
	s21 =	sshll.u32 s12, $0x1;
	s9 =	sadd.s32 s10, s19  }
0xa6: {  	s13 =	simm.s32 $0x0;
	s20 =	sshll.u32 s11, $0x1;
	s11 =	sadd.s32 s21, s9  }
0xa7: {  	[timem:s13], [sflag:s22] =	dma.local [hbm:s11], s20  }
0xa8: {  	_ =	swait.ge [sflag:s22], s20  }
0xa9: {  	s10 =	ssub.s32 $0x0, s20;
	[sflag:s22] =	ssyncset.done $0x0  }
0xaa: {  	[sflag:s22] =	ssyncadd.s32 s10;
	_ =	sdelay $0x1  }
0xab: {  	s23 =	simm.s32 $0x1B8B  }
0xac: {  	_ =	swait.ge [sflag:s23], $0x1  }
0xad: {  	[sflag:s23] =	ssyncset.done $0x0  }
0xae: {  	s25 =	simm.s32 $0x1B8E;
	s24 =	sld [smem:$0x3FFE];
	[sflag:s23] =	ssyncadd.s32 $0xFFFFFFFF  }
0xaf: {  	s26 =	simm.s32 $execute0_lowered;
	[smem:$0x3FD2] =	sst s25  }
0xb0: {  	s11 =	sshll.u32 s26, $0x1;
	_ =	strace $0x80000046;
	[dreg:$0x1] =	wrdreg $0xFFFFFFFF  }
0xb1: {  	s28 =	simm.s32 $_size_execute0_lowered;
	s9 =	sadd.s32 s9, s11;
	[dreg:$0x0] =	wrdreg $0x0  }
0xb2: {  	s11 =	sshll.u32 s28, $0x1;
	[dreg:$0x2] =	wrdreg s9  }
0xb3: {  	[dreg:$0x3] =	wrdreg s11  }
0xb4: {  	[dreg:$0x4] =	wrdreg $0xC0  }
0xb5: {  	_ =	task [dreg:s13], $0x5FFFF  }
0xb6: {  	[dreg:$0x1] =	wrdreg $0xFFFFFFFF  }
0xb7: {  	[dreg:$0x0] =	wrdreg $0x60  }
0xb8: {  	[dreg:$0x2] =	wrdreg s2  }
0xb9: {  	[dreg:$0x3] =	wrdreg s15  }
0xba: {  	[dreg:$0x4] =	wrdreg s5  }
0xbb: {  	[dreg:$0x5] =	wrdreg s24  }
0xbc: {  	[dreg:$0x6] =	wrdreg s6  }
0xbd: {  	[dreg:$0x7] =	wrdreg s7  }
0xbe: {  	[dreg:$0x8] =	wrdreg s16  }
0xbf: {  	[dreg:$0x9] =	wrdreg s17  }
0xc0: {  	[dreg:$0xa] =	wrdreg $0x9  }
0xc1: {  	_ =	task.clear_ibuf [dreg:s13], $0xBFFFF;
	_ =	strace $0x90000046  }
0xc2: {  	s29 =	simm.s32 $0x9;
	_ =	strace $0x80000048  }
0xc3: {  	_ =	swait.ge [sflag:s29], $0x1  }
0xc4: {  	[sflag:s29] =	ssyncadd.s32 $0xFFFFFFFF  }
0xc5: {  	_ =	strace $0x90000048  }
0xc6: {  	_ =	sfence  }
0xc7: {  	s30 =	sld [smem:$0x0];
	_ =	sdelay $0x2  }
0xc8: {  	s31 =	sshll.u32 s1, $0xD;
	s1 =	sshrl.u32 s1, $0x2  }
0xc9: {  	s3 =	sand.u32 $0x4000, s31;
	s1 =	sadd.s32 s1, s30  }
0xca: {  	s0 =	sor.u32 s3, s0;
	s1 =	sshll.u32 s1, $0x11  }
0xcb: {  	s0 =	sor.u32 s1, s0  }
0xcc: {  	s0 =	sadd.s32 $0x8F2B, s0  }
0xcd: {  	[sflag:s0] =	ssyncadd.remote.s32 $0x1  }
0xce: {  	_ =	sfence.sel $0xFFFF  }
0xcf: {  	[dreg:$0x0] =	wrdreg $0xFFFFFFFF;
	(pc) =	sbr.abs _section_cstart, $3  }
0xd0: {  	[dreg:$0x1] =	wrdreg $0xFFFFFFFF  }
0xd1: {  	_ =	task.clear_ibuf [dreg:s13], $0x2FFFF;
	_ =	strace $0x9FFFFFFF  }
0xd2: {  	(tm) =	ssettm $0x7FFFFFFF  }
0xd3: {  	_ =	shalt  }
tec
execute0_lowered:
.L_overlay_start_1:
0x0: {  	(tag) =	ssettag $0x1  }
0x1: {  	s0 =	rddreg [dreg:$0x0]  }
0x2: {  	s3 =	rddreg [dreg:$0x1]  }
0x3: {  	s7 =	rddreg [dreg:$0x2]  }
0x4: {  	s6 =	rddreg [dreg:$0x3]  }
0x5: {  	s1 =	rddreg [dreg:$0x4]  }
0x6: {  	s2 =	rddreg [dreg:$0x5]  }
0x7: {  	s8 =	rddreg [dreg:$0x6]  }
0x8: {  	s9 =	rddreg [dreg:$0x7];
	s4 =	simm.s32 $0x0  }
0x9: {  	s5 =	srdreg.scid;
	s11 =	stileid.u32;
	s14 =	simm.s32 $0x200  }
0xa: {  	s15 =	simm.s32 $0x400;
	s16 =	simm.s32 $0x80;
	s17 =	simm.s32 $0x600  }
0xb: {  	s18 =	simm.s32 $0x8600;
	s19 =	simm.s32 $0x10600;
	s21 =	simm.s32 $0x280  }
0xc: {  	s23 =	simm.s32 $0x480;
	s29 =	simm.s32 $0x100;
	s31 =	simm.s32 $0x300  }
0xd: {  	s30 =	simm.s32 $0x380;
	s20 =	simm.s32 $0x580;
	[smem:$0x7FF] =	sst s4  }
0xe: {  	s5 =	sand.u32 $0x1, s5;
	s11 =	sshll.u32 s11, $0x7;
	_ =	strace $0x80000047  }
0xf: {  	s10 =	ssub.s32 $0x2, s5;
	s12 =	sshll.u32 s5, $0x6;
	s5 =	sadd.s32 $0xF42C00, s6  }
0x10: {  	s6 =	sadd.s32 $0x16E3E00, s6;
	s13 =	sshrl.u32 s10, $0x1;
	s11 =	sor.u32 s12, s11  }
0x11: {  	s25 =	ssub.s32 s10, s13;
	s0 =	sadd.s32 s0, s11;
	s26 =	sadd.s32 s3, s11  }
0x12: {  	v0 =	vlaneseq.u32;
	s28 =	sadd.s32 s7, s11;
	s10 =	sadd.s32 s8, s11;
	[dreg:$0x9] =	wrdreg s0  }
0x13: {  	v0 =	vmul.u32 $0x40, v0;
	s11 =	sadd.s32 s9, s11;
	s13 =	simm.s32 $0x2;
	[dreg:$0xa] =	wrdreg s26  }
0x14: {  	s3 =	simm.s32 $0x500;
	[dreg:$0xb] =	wrdreg s28;
	s12 =	smax.u32 s25, $0x1  }
0x15: {  	[tilespmem:$0x1FFF0] =	vst v0;
	s26 =	simm.s32 $0x180;
	s0 =	simm.s32 $0x1;
	s25 =	simm.s32 $0x0  }
.LBB2_1:
0x16: {  	s7 =	rddreg [dreg:$0x9]  }
0x17: {  	[tilespmem:s4], [sflag:$0x2] =	stream.linear.gather [hbm4b:s7+s4], $0x200, $0x38;
	[tilespmem:$0x19000] =	vst v63  }
0x18: {  	_ =	swait.ge [sflag:s13], $0x200  }
0x19: {  	[sflag:s13] =	ssyncset.done $0x0  }
0x1a: {  	s22 =	rddreg [dreg:$0xa];
	[sflag:s13] =	ssyncadd.s32 $0xFFFFFE00  }
0x1b: {  	[tilespmem:s14], [sflag:$0x2] =	stream.linear.gather [hbm4b:s22+s4], $0x200, $0x38;
	[tilespmem:$0x19000] =	vst v63  }
0x1c: {  	_ =	swait.ge [sflag:s13], $0x200  }
0x1d: {  	[sflag:s13] =	ssyncset.done $0x0  }
0x1e: {  	s24 =	rddreg [dreg:$0xb];
	[sflag:s13] =	ssyncadd.s32 $0xFFFFFE00  }
0x1f: {  	[tilespmem:s15], [sflag:$0x2] =	stream.linear.gather [hbm4b:s24+s4], $0x200, $0x38;
	[tilespmem:$0x19000] =	vst v63  }
0x20: {  	_ =	swait.ge [sflag:s13], $0x200  }
0x21: {  	[sflag:s13] =	ssyncset.done $0x0  }
0x22: {  	[sflag:s13] =	ssyncadd.s32 $0xFFFFFE00  }
0x23: {  	[tilespmem:s17], [sflag:$0x1] =	stream.indirect.gather [hbm4b:s5+s16], $0x40, s4, s16, $0xb8;
	[tilespmem:$0x19000] =	vst v63  }
0x24: {  	_ = 	snop  }
0x25: {  	[tilespmem:s18], [sflag:$0x1] =	stream.indirect.gather [hbm4b:s6+s16], $0x40, s14, s16, $0xb8;
	[tilespmem:$0x19000] =	vst v63  }
0x26: {  	_ = 	snop  }
0x27: {  	[tilespmem:s19], [sflag:$0x1] =	stream.indirect.gather [hbm4b:s6+s16], $0x40, s15, s16, $0xb8;
	[tilespmem:$0x19000] =	vst v63  }
0x28: {  	s28 =	simm.s32 $0x18600  }
0x29: {  	[tilespmem:s28], [sflag:$0x1] =	stream.indirect.gather [hbm4b:s1+s16], $0x1, s4, s16, $0xb8;
	[tilespmem:$0x19000] =	vst v63  }
0x2a: {  	s22 =	simm.s32 $0x18800  }
0x2b: {  	[tilespmem:s22], [sflag:$0x1] =	stream.indirect.gather [hbm4b:s2+s16], $0x1, s14, s16, $0xb8;
	[tilespmem:$0x19000] =	vst v63  }
0x2c: {  	s24 =	simm.s32 $0x18A00  }
0x2d: {  	[tilespmem:s24], [sflag:$0x1] =	stream.indirect.gather [hbm4b:s2+s16], $0x1, s15, s16, $0xb8;
	[tilespmem:$0x19000] =	vst v63  }
0x2e: {  	s8 =	simm.s32 $0x2600  }
0x2f: {  	[tilespmem:s8], [sflag:$0x1] =	stream.indirect.gather [hbm4b:s5+s16], $0x40, s16, s16, $0xb8;
	[tilespmem:$0x19000] =	vst v63  }
0x30: {  	s9 =	simm.s32 $0xA600  }
0x31: {  	[tilespmem:s9], [sflag:$0x1] =	stream.indirect.gather [hbm4b:s6+s16], $0x40, s21, s16, $0xb8;
	[tilespmem:$0x19000] =	vst v63  }
0x32: {  	s8 =	simm.s32 $0x12600  }
0x33: {  	[tilespmem:s8], [sflag:$0x1] =	stream.indirect.gather [hbm4b:s6+s16], $0x40, s23, s16, $0xb8;
	[tilespmem:$0x19000] =	vst v63  }
0x34: {  	s9 =	simm.s32 $0x18680  }
0x35: {  	[tilespmem:s9], [sflag:$0x1] =	stream.indirect.gather [hbm4b:s1+s16], $0x1, s16, s16, $0xb8;
	[tilespmem:$0x19000] =	vst v63  }
0x36: {  	s8 =	simm.s32 $0x18880  }
0x37: {  	[tilespmem:s8], [sflag:$0x1] =	stream.indirect.gather [hbm4b:s2+s16], $0x1, s21, s16, $0xb8;
	[tilespmem:$0x19000] =	vst v63  }
0x38: {  	s9 =	simm.s32 $0x18A80  }
0x39: {  	[tilespmem:s9], [sflag:$0x1] =	stream.indirect.gather [hbm4b:s2+s16], $0x1, s23, s16, $0xb8;
	[tilespmem:$0x19000] =	vst v63  }
0x3a: {  	s8 =	simm.s32 $0x4600  }
0x3b: {  	[tilespmem:s8], [sflag:$0x1] =	stream.indirect.gather [hbm4b:s5+s16], $0x40, s29, s16, $0xb8;
	[tilespmem:$0x19000] =	vst v63  }
0x3c: {  	s9 =	simm.s32 $0xC600  }
0x3d: {  	[tilespmem:s9], [sflag:$0x1] =	stream.indirect.gather [hbm4b:s6+s16], $0x40, s31, s16, $0xb8;
	[tilespmem:$0x19000] =	vst v63  }
0x3e: {  	s8 =	simm.s32 $0x14600  }
0x3f: {  	[tilespmem:s8], [sflag:$0x1] =	stream.indirect.gather [hbm4b:s6+s16], $0x40, s3, s16, $0xb8;
	[tilespmem:$0x19000] =	vst v63  }
0x40: {  	s9 =	simm.s32 $0x18700  }
0x41: {  	[tilespmem:s9], [sflag:$0x1] =	stream.indirect.gather [hbm4b:s1+s16], $0x1, s29, s16, $0xb8;
	[tilespmem:$0x19000] =	vst v63  }
0x42: {  	s8 =	simm.s32 $0x18900  }
0x43: {  	[tilespmem:s8], [sflag:$0x1] =	stream.indirect.gather [hbm4b:s2+s16], $0x1, s31, s16, $0xb8;
	[tilespmem:$0x19000] =	vst v63  }
0x44: {  	s9 =	simm.s32 $0x18B00  }
0x45: {  	[tilespmem:s9], [sflag:$0x1] =	stream.indirect.gather [hbm4b:s2+s16], $0x1, s3, s16, $0xb8;
	[tilespmem:$0x19000] =	vst v63  }
0x46: {  	s8 =	simm.s32 $0x6600  }
0x47: {  	[tilespmem:s8], [sflag:$0x1] =	stream.indirect.gather [hbm4b:s5+s16], $0x40, s26, s16, $0xb8;
	[tilespmem:$0x19000] =	vst v63  }
0x48: {  	s9 =	simm.s32 $0xE600  }
0x49: {  	[tilespmem:s9], [sflag:$0x1] =	stream.indirect.gather [hbm4b:s6+s16], $0x40, s30, s16, $0xb8;
	[tilespmem:$0x19000] =	vst v63  }
0x4a: {  	s8 =	simm.s32 $0x16600  }
0x4b: {  	[tilespmem:s8], [sflag:$0x1] =	stream.indirect.gather [hbm4b:s6+s16], $0x40, s20, s16, $0xb8;
	[tilespmem:$0x19000] =	vst v63  }
0x4c: {  	s9 =	simm.s32 $0x18780  }
0x4d: {  	[tilespmem:s9], [sflag:$0x1] =	stream.indirect.gather [hbm4b:s1+s16], $0x1, s26, s16, $0xb8;
	[tilespmem:$0x19000] =	vst v63  }
0x4e: {  	s8 =	simm.s32 $0x18980  }
0x4f: {  	[tilespmem:s8], [sflag:$0x1] =	stream.indirect.gather [hbm4b:s2+s16], $0x1, s30, s16, $0xb8;
	[tilespmem:$0x19000] =	vst v63  }
0x50: {  	s9 =	simm.s32 $0x18B80  }
0x51: {  	[tilespmem:s9], [sflag:$0x1] =	stream.indirect.gather [hbm4b:s2+s16], $0x1, s20, s16, $0xb8;
	[tilespmem:$0x19000] =	vst v63  }
0x52: {  	_ =	swait.ge [sflag:s0], $0x2000  }
0x53: {  	[sflag:s0] =	ssyncset.done $0x0  }
0x54: {  	[sflag:s0] =	ssyncadd.s32 $0xFFFFE000  }
0x55: {  	_ =	swait.ge [sflag:s0], $0x2000  }
0x56: {  	[sflag:s0] =	ssyncset.done $0x0  }
0x57: {  	[sflag:s0] =	ssyncadd.s32 $0xFFFFE000  }
0x58: {  	_ =	swait.ge [sflag:s0], $0x2000  }
0x59: {  	[sflag:s0] =	ssyncset.done $0x0  }
0x5a: {  	[sflag:s0] =	ssyncadd.s32 $0xFFFFE000  }
0x5b: {  	_ =	swait.ge [sflag:s0], $0x80  }
0x5c: {  	[sflag:s0] =	ssyncset.done $0x0  }
0x5d: {  	[sflag:s0] =	ssyncadd.s32 $0xFFFFFF80  }
0x5e: {  	_ =	swait.ge [sflag:s0], $0x80  }
0x5f: {  	[sflag:s0] =	ssyncset.done $0x0  }
0x60: {  	[sflag:s0] =	ssyncadd.s32 $0xFFFFFF80  }
0x61: {  	_ =	swait.ge [sflag:s0], $0x80  }
0x62: {  	[sflag:s0] =	ssyncset.done $0x0  }
0x63: {  	[sflag:s0] =	ssyncadd.s32 $0xFFFFFF80  }
0x64: {  	_ =	swait.ge [sflag:s0], $0x2000  }
0x65: {  	[sflag:s0] =	ssyncset.done $0x0  }
0x66: {  	[sflag:s0] =	ssyncadd.s32 $0xFFFFE000  }
0x67: {  	_ =	swait.ge [sflag:s0], $0x2000  }
0x68: {  	[sflag:s0] =	ssyncset.done $0x0  }
0x69: {  	[sflag:s0] =	ssyncadd.s32 $0xFFFFE000  }
0x6a: {  	_ =	swait.ge [sflag:s0], $0x2000  }
0x6b: {  	[sflag:s0] =	ssyncset.done $0x0  }
0x6c: {  	[sflag:s0] =	ssyncadd.s32 $0xFFFFE000  }
0x6d: {  	_ =	swait.ge [sflag:s0], $0x80  }
0x6e: {  	[sflag:s0] =	ssyncset.done $0x0  }
0x6f: {  	[sflag:s0] =	ssyncadd.s32 $0xFFFFFF80  }
0x70: {  	_ =	swait.ge [sflag:s0], $0x80  }
0x71: {  	[sflag:s0] =	ssyncset.done $0x0  }
0x72: {  	[sflag:s0] =	ssyncadd.s32 $0xFFFFFF80  }
0x73: {  	_ =	swait.ge [sflag:s0], $0x80  }
0x74: {  	[sflag:s0] =	ssyncset.done $0x0  }
0x75: {  	[sflag:s0] =	ssyncadd.s32 $0xFFFFFF80  }
0x76: {  	_ =	swait.ge [sflag:s0], $0x2000  }
0x77: {  	[sflag:s0] =	ssyncset.done $0x0  }
0x78: {  	[sflag:s0] =	ssyncadd.s32 $0xFFFFE000  }
0x79: {  	_ =	swait.ge [sflag:s0], $0x2000  }
0x7a: {  	[sflag:s0] =	ssyncset.done $0x0  }
0x7b: {  	[sflag:s0] =	ssyncadd.s32 $0xFFFFE000  }
0x7c: {  	_ =	swait.ge [sflag:s0], $0x2000  }
0x7d: {  	[sflag:s0] =	ssyncset.done $0x0  }
0x7e: {  	[sflag:s0] =	ssyncadd.s32 $0xFFFFE000  }
0x7f: {  	_ =	swait.ge [sflag:s0], $0x80  }
0x80: {  	[sflag:s0] =	ssyncset.done $0x0  }
0x81: {  	[sflag:s0] =	ssyncadd.s32 $0xFFFFFF80  }
0x82: {  	_ =	swait.ge [sflag:s0], $0x80  }
0x83: {  	[sflag:s0] =	ssyncset.done $0x0  }
0x84: {  	[sflag:s0] =	ssyncadd.s32 $0xFFFFFF80  }
0x85: {  	_ =	swait.ge [sflag:s0], $0x80  }
0x86: {  	[sflag:s0] =	ssyncset.done $0x0  }
0x87: {  	[sflag:s0] =	ssyncadd.s32 $0xFFFFFF80  }
0x88: {  	_ =	swait.ge [sflag:s0], $0x2000  }
0x89: {  	[sflag:s0] =	ssyncset.done $0x0  }
0x8a: {  	[sflag:s0] =	ssyncadd.s32 $0xFFFFE000  }
0x8b: {  	_ =	swait.ge [sflag:s0], $0x2000  }
0x8c: {  	[sflag:s0] =	ssyncset.done $0x0  }
0x8d: {  	[sflag:s0] =	ssyncadd.s32 $0xFFFFE000  }
0x8e: {  	_ =	swait.ge [sflag:s0], $0x2000  }
0x8f: {  	[sflag:s0] =	ssyncset.done $0x0  }
0x90: {  	[sflag:s0] =	ssyncadd.s32 $0xFFFFE000  }
0x91: {  	_ =	swait.ge [sflag:s0], $0x80  }
0x92: {  	[sflag:s0] =	ssyncset.done $0x0  }
0x93: {  	[sflag:s0] =	ssyncadd.s32 $0xFFFFFF80  }
0x94: {  	_ =	swait.ge [sflag:s0], $0x80  }
0x95: {  	[sflag:s0] =	ssyncset.done $0x0  }
0x96: {  	[sflag:s0] =	ssyncadd.s32 $0xFFFFFF80  }
0x97: {  	_ =	swait.ge [sflag:s0], $0x80  }
0x98: {  	s7 =	simm.s32 $0x18E00;
	[sflag:s0] =	ssyncset.done $0x0  }
0x99: {  	s8 =	simm.s32 $0x18C00;
	s9 =	simm.s32 $0x0;
	[sflag:s0] =	ssyncadd.s32 $0xFFFFFF80  }
.LBB2_2:
0x9a: {  	_ =	sdelay $0x1  }
0x9b: {  	v1 =	vmov s9  }
0x9c: {  	v1 =	vshll.u32 v1, $0x6  }
0x9d: {  	v1 =	vor.u32 v0, v1  }
0x9e: {  	v2 =	vor.u32 $0x1, v1;
	_ =	sdelay $0x3  }
0x9f: {  	v3 =	vor.u32 $0x2, v1  }
0xa0: {  	v13 =	vld.idx.msk [tilespmem:v2+s17+$0x0], $0xffff  }
0xa1: {  	v6 =	vld.idx.msk [tilespmem:v2+s18+$0x0], $0xffff  }
0xa2: {  	v18 =	vld.idx.msk [tilespmem:v2+s19+$0x0], $0xffff;
	v2 =	vor.u32 $0x4, v1;
	_ =	sdelay $0x1  }
0xa3: {  	v19 =	vld.idx.msk [tilespmem:v3+s17+$0x0], $0xffff  }
0xa4: {  	v47 =	vor.u32 $0x6, v1;
	v11 =	vld.idx.msk [tilespmem:v3+s18+$0x0], $0xffff  }
0xa5: {  	v23 =	vld.idx.msk [tilespmem:v3+s19+$0x0], $0xffff;
	v3 =	vor.u32 $0x5, v1  }
0xa6: {  	v28 =	vld.idx.msk [tilespmem:v2+s17+$0x0], $0xffff  }
0xa7: {  	v31 =	vld.idx.msk [tilespmem:v2+s18+$0x0], $0xffff  }
0xa8: {  	v32 =	vld.idx.msk [tilespmem:v2+s19+$0x0], $0xffff;
	v2 =	vor.u32 $0x7, v1  }
0xa9: {  	v54 =	vld.idx.msk [tilespmem:v47+s17+$0x0], $0xffff  }
0xaa: {  	v36 =	vld.idx.msk [tilespmem:v3+s17+$0x0], $0xffff  }
0xab: {  	v49 =	vld.idx.msk [tilespmem:v3+s18+$0x0], $0xffff  }
0xac: {  	v53 =	vld.idx.msk [tilespmem:v3+s19+$0x0], $0xffff;
	v3 =	vor.u32 $0x8, v1  }
0xad: {  	v56 =	vld.idx.msk [tilespmem:v2+s17+$0x0], $0xffff  }
0xae: {  	v57 =	vld.idx.msk [tilespmem:v2+s18+$0x0], $0xffff  }
0xaf: {  	v58 =	vld.idx.msk [tilespmem:v2+s19+$0x0], $0xffff;
	v2 =	vor.u32 $0xA, v1  }
0xb0: {  	v52 =	vld.idx.msk [tilespmem:v47+s18+$0x0], $0xffff  }
0xb1: {  	v59 =	vld.idx.msk [tilespmem:v3+s17+$0x0], $0xffff  }
0xb2: {  	v60 =	vld.idx.msk [tilespmem:v3+s18+$0x0], $0xffff  }
0xb3: {  	v61 =	vld.idx.msk [tilespmem:v3+s19+$0x0], $0xffff;
	v3 =	vor.u32 $0xB, v1  }
0xb4: {  	v37 =	vld.idx.msk [tilespmem:v2+s17+$0x0], $0xffff  }
0xb5: {  	v14 =	vld.idx.msk [tilespmem:v2+s18+$0x0], $0xffff  }
0xb6: {  	v50 =	vld.idx.msk [tilespmem:v2+s19+$0x0], $0xffff;
	v2 =	vor.u32 $0xD, v1  }
0xb7: {  	v55 =	vld.idx.msk [tilespmem:v47+s19+$0x0], $0xffff  }
0xb8: {  	v41 =	vld.idx.msk [tilespmem:v3+s17+$0x0], $0xffff  }
0xb9: {  	v20 =	vld.idx.msk [tilespmem:v3+s18+$0x0], $0xffff  }
0xba: {  	v47 =	vld.idx.msk [tilespmem:v3+s19+$0x0], $0xffff  }
0xbb: {  	v3 =	vor.u32 $0xE, v1;
	v0 =	vld.idx.msk [tilespmem:v2+s19+$0x0], $0xffff;
	_ =	sdelay $0x4  }
0xbc: {  	v10 =	vor.u32 $0xF, v1;
	[tilespmem:$0x1FF40] =	vst v0;
	v0 =	vld.idx.msk [tilespmem:v3+s19+$0x0], $0xffff;
	_ =	sdelay $0x2  }
0xbd: {  	v33 =	vld.idx.msk [tilespmem:v2+s17+$0x0], $0xffff  }
0xbe: {  	v26 =	vld.idx.msk [tilespmem:v2+s18+$0x0], $0xffff  }
0xbf: {  	v2 =	vor.u32 $0x10, v1;
	[tilespmem:$0x1FF50] =	vst v0;
	v0 =	vld.idx.msk [tilespmem:v10+s19+$0x0], $0xffff;
	_ =	sdelay $0x2  }
0xc0: {  	v29 =	vld.idx.msk [tilespmem:v3+s17+$0x0], $0xffff  }
0xc1: {  	v30 =	vld.idx.msk [tilespmem:v3+s18+$0x0], $0xffff  }
0xc2: {  	v3 =	vor.u32 $0x11, v1;
	[tilespmem:$0x1FF60] =	vst v0;
	v0 =	vld.idx.msk [tilespmem:v2+s19+$0x0], $0xffff;
	_ =	sdelay $0x1  }
0xc3: {  	v51 =	vor.u32 $0x9, v1;
	_ =	sdelay $0x1  }
0xc4: {  	v9 =	vld.idx.msk [tilespmem:v1+s17+$0x0], $0xffff  }
0xc5: {  	v12 =	vor.u32 $0x12, v1;
	[tilespmem:$0x1FF70] =	vst v0;
	v0 =	vld.idx.msk [tilespmem:v3+s19+$0x0], $0xffff  }
0xc6: {  	v35 =	vld.idx.msk [tilespmem:v1+s18+$0x0], $0xffff  }
0xc7: {  	v46 =	vld.idx.msk [tilespmem:v51+s17+$0x0], $0xffff  }
0xc8: {  	v21 =	vld.idx.msk [tilespmem:v2+s17+$0x0], $0xffff  }
0xc9: {  	v39 =	vld.idx.msk [tilespmem:v2+s18+$0x0], $0xffff  }
0xca: {  	v2 =	vor.u32 $0x13, v1;
	[tilespmem:$0x1FF80] =	vst v0;
	v0 =	vld.idx.msk [tilespmem:v12+s19+$0x0], $0xffff  }
0xcb: {  	v62 =	vld.idx.msk [tilespmem:v51+s18+$0x0], $0xffff  }
0xcc: {  	v63 =	vld.idx.msk [tilespmem:v51+s19+$0x0], $0xffff  }
0xcd: {  	v17 =	vld.idx.msk [tilespmem:v3+s17+$0x0], $0xffff  }
0xce: {  	v40 =	vld.idx.msk [tilespmem:v3+s18+$0x0], $0xffff  }
0xcf: {  	v3 =	vor.u32 $0x14, v1;
	[tilespmem:$0x1FFA0] =	vst v0;
	v0 =	vld.idx.msk [tilespmem:v2+s19+$0x0], $0xffff  }
0xd0: {  	v4 =	vor.u32 $0x3, v1;
	v16 =	vld.idx.msk [tilespmem:v12+s17+$0x0], $0xffff  }
0xd1: {  	v51 =	vld.idx.msk [tilespmem:v12+s18+$0x0], $0xffff  }
0xd2: {  	v48 =	vld.idx.msk [tilespmem:v2+s18+$0x0], $0xffff  }
0xd3: {  	v8 =	vor.u32 $0xC, v1;
	v12 =	vld.idx.msk [tilespmem:v2+s17+$0x0], $0xffff  }
0xd4: {  	v2 =	vor.u32 $0x15, v1;
	[tilespmem:$0x1FFB0] =	vst v0;
	v0 =	vld.idx.msk [tilespmem:v3+s19+$0x0], $0xffff  }
0xd5: {  	v24 =	vld.idx.msk [tilespmem:v4+s17+$0x0], $0xffff  }
0xd6: {  	v15 =	vld.idx.msk [tilespmem:v4+s18+$0x0], $0xffff  }
0xd7: {  	v27 =	vld.idx.msk [tilespmem:v4+s19+$0x0], $0xffff  }
0xd8: {  	v38 =	vld.idx.msk [tilespmem:v8+s17+$0x0], $0xffff  }
0xd9: {  	[tilespmem:$0x1FFC0] =	vst v0;
	v0 =	vld.idx.msk [tilespmem:v2+s18+$0x0], $0xffff  }
0xda: {  	v22 =	vld.idx.msk [tilespmem:v8+s18+$0x0], $0xffff  }
0xdb: {  	v4 =	vld.idx.msk [tilespmem:v1+s19+$0x0], $0xffff  }
0xdc: {  	v7 =	vld.idx.msk [tilespmem:v3+s17+$0x0], $0xffff  }
0xdd: {  	v45 =	vld.idx.msk [tilespmem:v3+s18+$0x0], $0xffff;
	v3 =	vor.u32 $0x16, v1  }
0xde: {  	[tilespmem:$0x1FF90] =	vst v0;
	v0 =	vld.idx.msk [tilespmem:v2+s19+$0x0], $0xffff  }
0xdf: {  	v44 =	vld.idx.msk [tilespmem:v8+s19+$0x0], $0xffff  }
0xe0: {  	v43 =	vor.u32 $0x17, v1;
	v25 =	vld.idx.msk [tilespmem:v10+s17+$0x0], $0xffff;
	v42 =	vmul.f32 v35, v9  }
0xe1: {  	v34 =	vld.idx.msk [tilespmem:v10+s18+$0x0], $0xffff  }
0xe2: {  	v6 =	vmul.f32 v6, v13;
	v42 =	vadd.f32 $0.0e+00, v42;
	v10 =	vld.idx.msk [tilespmem:v3+s17+$0x0], $0xffff  }
0xe3: {  	v4 =	vmul.f32 v4, v9;
	v9 =	vor.u32 $0x1A, v1;
	[tilespmem:$0x1FFD0] =	vst v0;
	v0 =	vld.idx.msk [tilespmem:v3+s19+$0x0], $0xffff  }
0xe4: {  	v6 =	vadd.f32 v6, v42;
	v35 =	vld.idx.msk [tilespmem:v3+s18+$0x0], $0xffff;
	v3 =	vmul.f32 v11, v19  }
0xe5: {  	v8 =	vld.idx.msk [tilespmem:v43+s17+$0x0], $0xffff;
	v13 =	vmul.f32 v18, v13;
	v4 =	vadd.f32 $0.0e+00, v4  }
0xe6: {  	v15 =	vmul.f32 v15, v24;
	v18 =	vor.u32 $0x1B, v1;
	v42 =	vld.idx.msk [tilespmem:v43+s18+$0x0], $0xffff;
	v3 =	vadd.f32 v3, v6  }
0xe7: {  	v4 =	vadd.f32 v13, v4;
	v5 =	vld.idx.msk [tilespmem:v2+s17+$0x0], $0xffff;
	v2 =	vor.u32 $0x19, v1  }
0xe8: {  	v31 =	vmul.f32 v31, v28;
	v13 =	vld.idx.msk [tilespmem:v9+s17+$0x0], $0xffff;
	v3 =	vadd.f32 v15, v3;
	[tilespmem:$0x1FFE0] =	vst v0;
	v0 =	vor.u32 $0x18, v1  }
0xe9: {  	v11 =	vld.idx.msk [tilespmem:v43+s19+$0x0], $0xffff;
	v19 =	vmul.f32 v23, v19  }
0xea: {  	v23 =	vmul.f32 v52, v54;
	v52 =	vld.idx.msk [tilespmem:v9+s18+$0x0], $0xffff;
	v3 =	vadd.f32 v31, v3;
	v31 =	vmul.f32 v49, v36  }
0xeb: {  	v4 =	vadd.f32 v19, v4;
	v19 =	vld.idx.msk [tilespmem:v18+s17+$0x0], $0xffff  }
0xec: {  	v49 =	vld.idx.msk [tilespmem:v2+s18+$0x0], $0xffff;
	v3 =	vadd.f32 v31, v3  }
0xed: {  	v28 =	vmul.f32 v32, v28;
	v32 =	vor.u32 $0x1D, v1;
	v31 =	vmul.f32 v27, v24;
	v6 =	vld.idx.msk [tilespmem:v0+s17+$0x0], $0xffff  }
0xee: {  	v57 =	vmul.f32 v57, v56;
	v27 =	vor.u32 $0x1C, v1;
	v43 =	vld.idx.msk [tilespmem:v0+s18+$0x0], $0xffff;
	v3 =	vadd.f32 v23, v3  }
0xef: {  	v23 =	vld.idx.msk [tilespmem:v9+s19+$0x0], $0xffff;
	v4 =	vadd.f32 v31, v4  }
0xf0: {  	v3 =	vadd.f32 v57, v3;
	v57 =	vld.idx.msk [tilespmem:v18+s18+$0x0], $0xffff  }
0xf1: {  	v24 =	vmul.f32 v60, v59;
	v4 =	vadd.f32 v28, v4;
	v28 =	vld.idx.msk [tilespmem:v18+s19+$0x0], $0xffff  }
0xf2: {  	v60 =	vmul.f32 v53, v36;
	v36 =	vmul.f32 v62, v46;
	v62 =	vor.u32 $0x1E, v1;
	v18 =	vld.idx.msk [tilespmem:v32+s18+$0x0], $0xffff  }
0xf3: {  	v53 =	vld.idx.msk [tilespmem:v27+s18+$0x0], $0xffff  }
0xf4: {  	v14 =	vmul.f32 v14, v37;
	v31 =	vld.idx.msk [tilespmem:v27+s19+$0x0], $0xffff  }
0xf5: {  	v3 =	vadd.f32 v24, v3;
	v24 =	vld.idx.msk [tilespmem:v27+s17+$0x0], $0xffff;
	v4 =	vadd.f32 v60, v4;
	v60 =	vmul.f32 v55, v54  }
0xf6: {  	v55 =	vmul.f32 v58, v56;
	v27 =	vld.idx.msk [tilespmem:v32+s17+$0x0], $0xffff;
	v56 =	vmul.f32 v20, v41;
	v20 =	vor.u32 $0x1F, v1  }
0xf7: {  	v58 =	vmul.f32 v61, v59;
	v59 =	vmul.f32 v22, v38;
	v22 =	vld.idx.msk [tilespmem:v62+s18+$0x0], $0xffff;
	v3 =	vadd.f32 v36, v3  }
0xf8: {  	v36 =	vld.idx.msk [tilespmem:v32+s19+$0x0], $0xffff  }
0xf9: {  	v32 =	vld.idx.msk [tilespmem:v62+s17+$0x0], $0xffff;
	v3 =	vadd.f32 v14, v3  }
0xfa: {  	v4 =	vadd.f32 v60, v4;
	v60 =	vmul.f32 v63, v46;
	v46 =	vld.idx.msk [tilespmem:v62+s19+$0x0], $0xffff  }
0xfb: {  	v62 =	vmul.f32 v50, v37;
	v50 =	vor.u32 $0x21, v1;
	v37 =	vld.idx.msk [tilespmem:v20+s17+$0x0], $0xffff;
	v3 =	vadd.f32 v56, v3  }
0xfc: {  	v61 =	vmul.f32 v26, v33;
	v4 =	vadd.f32 v55, v4;
	v26 =	vld.idx.msk [tilespmem:v20+s18+$0x0], $0xffff  }
0xfd: {  	v54 =	vmul.f32 v47, v41;
	v55 =	vor.u32 $0x20, v1;
	v47 =	vld.idx.msk [tilespmem:v20+s19+$0x0], $0xffff;
	v3 =	vadd.f32 v59, v3  }
0xfe: {  	v4 =	vadd.f32 v58, v4;
	v58 =	vmul.f32 v44, v38;
	v44 =	vld [tilespmem:$0x1FF50]  }
0xff: {  	v3 =	vadd.f32 v61, v3;
	v61 =	vld [tilespmem:$0x1FF40]  }
0x100: {  	v63 =	vmul.f32 v30, v29;
	v30 =	vld.idx.msk [tilespmem:v50+s19+$0x0], $0xffff;
	v4 =	vadd.f32 v60, v4  }
0x101: {  	v60 =	vmul.f32 v39, v21;
	v39 =	vld.idx.msk [tilespmem:v50+s18+$0x0], $0xffff  }
0x102: {  	v41 =	vld.idx.msk [tilespmem:v55+s17+$0x0], $0xffff;
	v4 =	vadd.f32 v62, v4  }
0x103: {  	v59 =	vor.u32 $0x22, v1;
	v20 =	vld.idx.msk [tilespmem:v55+s18+$0x0], $0xffff  }
0x104: {  	v4 =	vadd.f32 v54, v4;
	v9 =	vmul.f32 v61, v33;
	v33 =	vld.idx.msk [tilespmem:v50+s17+$0x0], $0xffff  }
0x105: {  	v50 =	vmul.f32 v51, v16;
	v51 =	vld [tilespmem:$0x1FF60]  }
0x106: {  	v38 =	vld.idx.msk [tilespmem:v55+s19+$0x0], $0xffff;
	v4 =	vadd.f32 v58, v4  }
0x107: {  	v56 =	vmul.f32 v34, v25;
	v55 =	vld [tilespmem:$0x1FF70];
	v3 =	vadd.f32 v63, v3  }
0x108: {  	v63 =	vor.u32 $0x23, v1;
	v34 =	vld.idx.msk [tilespmem:v59+s19+$0x0], $0xffff;
	v4 =	vadd.f32 v9, v4;
	v9 =	vmul.f32 v44, v29  }
0x109: {  	v29 =	vld.idx.msk [tilespmem:v59+s17+$0x0], $0xffff  }
0x10a: {  	v44 =	vor.u32 $0x24, v1;
	v4 =	vadd.f32 v9, v4;
	v9 =	vmul.f32 v51, v25;
	v25 =	vld.idx.msk [tilespmem:v59+s18+$0x0], $0xffff  }
0x10b: {  	v59 =	vld [tilespmem:$0x1FF80]  }
0x10c: {  	v61 =	vld [tilespmem:$0x1FFA0]  }
0x10d: {  	v3 =	vadd.f32 v56, v3;
	v56 =	vmul.f32 v45, v7;
	v45 =	vld.idx.msk [tilespmem:v63+s18+$0x0], $0xffff  }
0x10e: {  	v4 =	vadd.f32 v9, v4;
	v9 =	vmul.f32 v55, v21;
	v21 =	vld.idx.msk [tilespmem:v63+s17+$0x0], $0xffff  }
0x10f: {  	v62 =	vmul.f32 v40, v17;
	v40 =	vld.idx.msk [tilespmem:v44+s17+$0x0], $0xffff  }
0x110: {  	v4 =	vadd.f32 v9, v4;
	v9 =	vmul.f32 v59, v17;
	v17 =	vld.idx.msk [tilespmem:v63+s19+$0x0], $0xffff  }
0x111: {  	v3 =	vadd.f32 v60, v3;
	v63 =	vmul.f32 v35, v10;
	v35 =	vld.idx.msk [tilespmem:v44+s19+$0x0], $0xffff  }
0x112: {  	v58 =	vor.u32 $0x25, v1;
	v4 =	vadd.f32 v9, v4;
	v9 =	vmul.f32 v61, v16;
	v16 =	vld.idx.msk [tilespmem:v44+s18+$0x0], $0xffff  }
0x113: {  	v3 =	vadd.f32 v62, v3;
	v44 =	vld [tilespmem:$0x1FFB0]  }
0x114: {  	v60 =	vld [tilespmem:$0x1FF90]  }
0x115: {  	v15 =	vld.idx.msk [tilespmem:v0+s19+$0x0], $0xffff;
	v54 =	vmul.f32 v48, v12;
	v3 =	vadd.f32 v50, v3  }
0x116: {  	v0 =	vld.idx.msk [tilespmem:v2+s17+$0x0], $0xffff  }
0x117: {  	v51 =	vmul.f32 v42, v8;
	v42 =	vld.idx.msk [tilespmem:v58+s18+$0x0], $0xffff;
	v3 =	vadd.f32 v54, v3  }
0x118: {  	v55 =	vld [tilespmem:$0x1FFC0];
	v4 =	vadd.f32 v9, v4;
	v9 =	vmul.f32 v44, v12  }
0x119: {  	v14 =	vmul.f32 v60, v5;
	v3 =	vadd.f32 v56, v3;
	v12 =	vld.idx.msk [tilespmem:v58+s17+$0x0], $0xffff  }
0x11a: {  	v62 =	vor.u32 $0x26, v1;
	v4 =	vadd.f32 v9, v4;
	v9 =	vld.idx.msk [tilespmem:v58+s19+$0x0], $0xffff  }
0x11b: {  	v3 =	vadd.f32 v14, v3;
	v58 =	vld [tilespmem:$0x1FFD0]  }
0x11c: {  	v54 =	vor.u32 $0x27, v1  }
0x11d: {  	v59 =	vor.u32 $0x28, v1;
	v61 =	vld [tilespmem:$0x1FFE0];
	v3 =	vadd.f32 v63, v3  }
0x11e: {  	v2 =	vld.idx.msk [tilespmem:v2+s19+$0x0], $0xffff;
	v7 =	vmul.f32 v55, v7  }
0x11f: {  	v60 =	vmul.f32 v49, v0;
	v49 =	vld.idx.msk [tilespmem:v62+s19+$0x0], $0xffff;
	v56 =	vmul.f32 v43, v6;
	v3 =	vadd.f32 v51, v3  }
0x120: {  	v43 =	vld.idx.msk [tilespmem:v62+s17+$0x0], $0xffff;
	v4 =	vadd.f32 v7, v4;
	v5 =	vmul.f32 v58, v5  }
0x121: {  	v50 =	vld.idx.msk [tilespmem:v54+s18+$0x0], $0xffff;
	v3 =	vadd.f32 v56, v3  }
0x122: {  	v14 =	vld.idx.msk [tilespmem:v59+s17+$0x0], $0xffff;
	v4 =	vadd.f32 v5, v4;
	v5 =	vmul.f32 v61, v10  }
0x123: {  	v63 =	vor.u32 $0x29, v1;
	v3 =	vadd.f32 v60, v3;
	v7 =	vld.idx.msk [tilespmem:v62+s18+$0x0], $0xffff;
	v62 =	vmul.f32 v52, v13  }
0x124: {  	v52 =	vmul.f32 v11, v8;
	v8 =	vld.idx.msk [tilespmem:v54+s19+$0x0], $0xffff;
	v4 =	vadd.f32 v5, v4  }
0x125: {  	v3 =	vadd.f32 v62, v3;
	v10 =	vld.idx.msk [tilespmem:v54+s17+$0x0], $0xffff;
	v54 =	vmul.f32 v57, v19  }
0x126: {  	v55 =	vmul.f32 v15, v6;
	v6 =	vld.idx.msk [tilespmem:v59+s18+$0x0], $0xffff;
	v56 =	vor.u32 $0x2A, v1;
	v4 =	vadd.f32 v52, v4  }
0x127: {  	v44 =	vld.idx.msk [tilespmem:v59+s19+$0x0], $0xffff;
	v59 =	vor.u32 $0x2B, v1;
	v57 =	vmul.f32 v53, v24;
	v3 =	vadd.f32 v54, v3  }
0x128: {  	v0 =	vmul.f32 v2, v0;
	v51 =	vor.u32 $0x2D, v1;
	v2 =	vld.idx.msk [tilespmem:v63+s17+$0x0], $0xffff;
	v4 =	vadd.f32 v55, v4  }
0x129: {  	v11 =	vld.idx.msk [tilespmem:v63+s18+$0x0], $0xffff;
	v58 =	vmul.f32 v18, v27;
	v3 =	vadd.f32 v57, v3  }
0x12a: {  	v60 =	vmul.f32 v23, v13;
	v13 =	vld.idx.msk [tilespmem:v63+s19+$0x0], $0xffff;
	v0 =	vadd.f32 v0, v4  }
0x12b: {  	v15 =	vld.idx.msk [tilespmem:v56+s19+$0x0], $0xffff;
	v61 =	vmul.f32 v22, v32;
	v3 =	vadd.f32 v58, v3  }
0x12c: {  	v48 =	vmul.f32 v20, v41;
	v20 =	vld.idx.msk [tilespmem:v59+s18+$0x0], $0xffff;
	v62 =	vmul.f32 v28, v19;
	v0 =	vadd.f32 v60, v0  }
0x12d: {  	v63 =	vor.u32 $0x2C, v1;
	v28 =	vmul.f32 v26, v37;
	v26 =	vld.idx.msk [tilespmem:v51+s19+$0x0], $0xffff;
	v3 =	vadd.f32 v61, v3  }
0x12e: {  	v31 =	vmul.f32 v31, v24;
	v18 =	vld.idx.msk [tilespmem:v59+s19+$0x0], $0xffff;
	v0 =	vadd.f32 v62, v0  }
0x12f: {  	v22 =	vld.idx.msk [tilespmem:v56+s17+$0x0], $0xffff;
	v3 =	vadd.f32 v28, v3  }
0x130: {  	v19 =	vld.idx.msk [tilespmem:v56+s18+$0x0], $0xffff;
	v52 =	vmul.f32 v36, v27;
	v0 =	vadd.f32 v31, v0  }
0x131: {  	v24 =	vld.idx.msk [tilespmem:v59+s17+$0x0], $0xffff;
	v53 =	vmul.f32 v39, v33;
	v59 =	vor.u32 $0x2F, v1;
	v3 =	vadd.f32 v48, v3  }
0x132: {  	v56 =	vmul.f32 v25, v29;
	v23 =	vld.idx.msk [tilespmem:v63+s19+$0x0], $0xffff;
	v54 =	vmul.f32 v46, v32;
	v0 =	vadd.f32 v52, v0  }
0x133: {  	v25 =	vld.idx.msk [tilespmem:v51+s17+$0x0], $0xffff;
	v39 =	vmul.f32 v42, v12;
	v42 =	vmul.f32 v7, v43;
	v3 =	vadd.f32 v53, v3  }
0x134: {  	v32 =	vld.idx.msk [tilespmem:v51+s18+$0x0], $0xffff;
	v57 =	vmul.f32 v47, v37;
	v47 =	vmul.f32 v50, v10;
	v0 =	vadd.f32 v54, v0  }
0x135: {  	v27 =	vld.idx.msk [tilespmem:v63+s17+$0x0], $0xffff;
	v50 =	vor.u32 $0x32, v1;
	v58 =	vmul.f32 v45, v21;
	v3 =	vadd.f32 v56, v3  }
0x136: {  	v7 =	vld.idx.msk [tilespmem:v59+s18+$0x0], $0xffff;
	v55 =	vor.u32 $0x2E, v1;
	v60 =	vmul.f32 v38, v41;
	v0 =	vadd.f32 v57, v0  }
0x137: {  	v46 =	vmul.f32 v17, v21;
	v17 =	vld.idx.msk [tilespmem:v59+s19+$0x0], $0xffff;
	v61 =	vmul.f32 v16, v40;
	v3 =	vadd.f32 v58, v3  }
0x138: {  	v45 =	vor.u32 $0x31, v1;
	v28 =	vld.idx.msk [tilespmem:v63+s18+$0x0], $0xffff;
	v62 =	vmul.f32 v30, v33;
	v0 =	vadd.f32 v60, v0  }
0x139: {  	v41 =	vmul.f32 v34, v29;
	v29 =	vld.idx.msk [tilespmem:v59+s17+$0x0], $0xffff;
	v3 =	vadd.f32 v61, v3  }
0x13a: {  	v63 =	vor.u32 $0x30, v1;
	v59 =	vld.idx.msk [tilespmem:v50+s18+$0x0], $0xffff;
	v0 =	vadd.f32 v62, v0  }
0x13b: {  	v16 =	vld.idx.msk [tilespmem:v55+s17+$0x0], $0xffff;
	v3 =	vadd.f32 v39, v3  }
0x13c: {  	v30 =	vld.idx.msk [tilespmem:v55+s18+$0x0], $0xffff;
	v0 =	vadd.f32 v41, v0  }
0x13d: {  	v33 =	vld.idx.msk [tilespmem:v45+s19+$0x0], $0xffff;
	v3 =	vadd.f32 v42, v3  }
0x13e: {  	v48 =	vmul.f32 v35, v40;
	v31 =	vld.idx.msk [tilespmem:v55+s19+$0x0], $0xffff;
	v0 =	vadd.f32 v46, v0  }
0x13f: {  	v51 =	vmul.f32 v6, v14;
	v55 =	vor.u32 $0x33, v1;
	v21 =	vld.idx.msk [tilespmem:v63+s17+$0x0], $0xffff;
	v3 =	vadd.f32 v47, v3  }
0x140: {  	v35 =	vld.idx.msk [tilespmem:v63+s18+$0x0], $0xffff;
	v52 =	vmul.f32 v9, v12;
	v0 =	vadd.f32 v48, v0  }
0x141: {  	v53 =	vmul.f32 v11, v2;
	v6 =	vld.idx.msk [tilespmem:v63+s19+$0x0], $0xffff;
	v3 =	vadd.f32 v51, v3  }
0x142: {  	v9 =	vld.idx.msk [tilespmem:v45+s17+$0x0], $0xffff;
	v56 =	vmul.f32 v49, v43;
	v0 =	vadd.f32 v52, v0  }
0x143: {  	v54 =	vld.idx.msk [tilespmem:v45+s18+$0x0], $0xffff;
	v57 =	vmul.f32 v19, v22;
	v3 =	vadd.f32 v53, v3  }
0x144: {  	v37 =	vor.u32 $0x35, v1;
	v58 =	vmul.f32 v8, v10;
	v36 =	vld.idx.msk [tilespmem:v55+s18+$0x0], $0xffff;
	v0 =	vadd.f32 v56, v0  }
0x145: {  	v38 =	vld.idx.msk [tilespmem:v55+s19+$0x0], $0xffff;
	v61 =	vmul.f32 v20, v24;
	v60 =	vor.u32 $0x34, v1;
	v3 =	vadd.f32 v57, v3  }
0x146: {  	v19 =	vld.idx.msk [tilespmem:v50+s17+$0x0], $0xffff;
	v62 =	vmul.f32 v44, v14;
	v0 =	vadd.f32 v58, v0  }
0x147: {  	v63 =	vmul.f32 v28, v27;
	v20 =	vld.idx.msk [tilespmem:v50+s19+$0x0], $0xffff;
	v3 =	vadd.f32 v61, v3  }
0x148: {  	v2 =	vmul.f32 v13, v2;
	v14 =	vld.idx.msk [tilespmem:v55+s17+$0x0], $0xffff;
	v0 =	vadd.f32 v62, v0  }
0x149: {  	v39 =	vmul.f32 v32, v25;
	v42 =	vor.u32 $0x36, v1;
	v44 =	vld.idx.msk [tilespmem:v37+s17+$0x0], $0xffff;
	v3 =	vadd.f32 v63, v3  }
0x14a: {  	v40 =	vld.idx.msk [tilespmem:v60+s17+$0x0], $0xffff;
	v0 =	vadd.f32 v2, v0;
	v2 =	vmul.f32 v15, v22  }
0x14b: {  	v43 =	vmul.f32 v30, v16;
	v41 =	vld.idx.msk [tilespmem:v60+s18+$0x0], $0xffff;
	v3 =	vadd.f32 v39, v3  }
0x14c: {  	v10 =	vld.idx.msk [tilespmem:v60+s19+$0x0], $0xffff;
	v0 =	vadd.f32 v2, v0;
	v2 =	vmul.f32 v18, v24  }
0x14d: {  	v45 =	vmul.f32 v7, v29;
	v47 =	vor.u32 $0x37, v1;
	v46 =	vld.idx.msk [tilespmem:v37+s18+$0x0], $0xffff;
	v3 =	vadd.f32 v43, v3  }
0x14e: {  	v50 =	vld.idx.msk [tilespmem:v42+s17+$0x0], $0xffff;
	v0 =	vadd.f32 v2, v0;
	v2 =	vmul.f32 v23, v27  }
0x14f: {  	v49 =	vmul.f32 v35, v21;
	v51 =	vld.idx.msk [tilespmem:v42+s18+$0x0], $0xffff;
	v3 =	vadd.f32 v45, v3  }
0x150: {  	v48 =	vld.idx.msk [tilespmem:v37+s19+$0x0], $0xffff;
	v37 =	vor.u32 $0x3C, v1;
	v0 =	vadd.f32 v2, v0;
	v2 =	vmul.f32 v26, v25  }
0x151: {  	v53 =	vmul.f32 v54, v9;
	v54 =	vld.idx.msk [tilespmem:v42+s19+$0x0], $0xffff;
	v52 =	vor.u32 $0x38, v1;
	v3 =	vadd.f32 v49, v3  }
0x152: {  	v55 =	vld.idx.msk [tilespmem:v47+s17+$0x0], $0xffff;
	v0 =	vadd.f32 v2, v0;
	v2 =	vmul.f32 v31, v16  }
0x153: {  	v57 =	vld.idx.msk [tilespmem:v47+s18+$0x0], $0xffff;
	v56 =	vmul.f32 v59, v19;
	v58 =	vor.u32 $0x39, v1;
	v3 =	vadd.f32 v53, v3  }
0x154: {  	v59 =	vld.idx.msk [tilespmem:v47+s19+$0x0], $0xffff;
	v0 =	vadd.f32 v2, v0;
	v2 =	vmul.f32 v17, v29  }
0x155: {  	v60 =	vmul.f32 v36, v14;
	v47 =	vld.idx.msk [tilespmem:v37+s17+$0x0], $0xffff;
	v63 =	vor.u32 $0x3A, v1;
	v3 =	vadd.f32 v56, v3  }
0x156: {  	v61 =	vld.idx.msk [tilespmem:v52+s17+$0x0], $0xffff;
	v0 =	vadd.f32 v2, v0;
	v2 =	vmul.f32 v6, v21  }
0x157: {  	v28 =	vmul.f32 v41, v40;
	v62 =	vld.idx.msk [tilespmem:v52+s18+$0x0], $0xffff;
	v3 =	vadd.f32 v60, v3  }
0x158: {  	v41 =	vor.u32 $0x3D, v1;
	v30 =	vld.idx.msk [tilespmem:v58+s17+$0x0], $0xffff;
	v0 =	vadd.f32 v2, v0;
	v2 =	vmul.f32 v33, v9  }
0x159: {  	v32 =	vld.idx.msk [tilespmem:v58+s18+$0x0], $0xffff;
	v45 =	vor.u32 $0x3E, v1;
	v31 =	vmul.f32 v46, v44;
	v3 =	vadd.f32 v28, v3  }
0x15a: {  	v35 =	vld.idx.msk [tilespmem:v63+s17+$0x0], $0xffff;
	v33 =	vor.u32 $0x3B, v1;
	v0 =	vadd.f32 v2, v0;
	v2 =	vmul.f32 v20, v19  }
0x15b: {  	v34 =	vmul.f32 v51, v50;
	v36 =	vld.idx.msk [tilespmem:v63+s18+$0x0], $0xffff;
	v3 =	vadd.f32 v31, v3  }
0x15c: {  	v39 =	vld.idx.msk [tilespmem:v63+s19+$0x0], $0xffff;
	v0 =	vadd.f32 v2, v0;
	v2 =	vmul.f32 v38, v14  }
0x15d: {  	v49 =	vld.idx.msk [tilespmem:v41+s17+$0x0], $0xffff;
	v3 =	vadd.f32 v34, v3;
	v38 =	vmul.f32 v57, v55  }
0x15e: {  	v53 =	vld.idx.msk [tilespmem:v45+s18+$0x0], $0xffff;
	v0 =	vadd.f32 v2, v0;
	v2 =	vmul.f32 v10, v40  }
0x15f: {  	v42 =	vmul.f32 v62, v61;
	v43 =	vld.idx.msk [tilespmem:v33+s18+$0x0], $0xffff;
	v3 =	vadd.f32 v38, v3  }
0x160: {  	v40 =	vld.idx.msk [tilespmem:v33+s17+$0x0], $0xffff;
	v0 =	vadd.f32 v2, v0;
	v2 =	vmul.f32 v48, v44  }
0x161: {  	v46 =	vmul.f32 v32, v30;
	v29 =	vld.idx.msk [tilespmem:v52+s19+$0x0], $0xffff;
	v1 =	vor.u32 $0x3F, v1;
	v3 =	vadd.f32 v42, v3  }
0x162: {  	v48 =	vld.idx.msk [tilespmem:v37+s18+$0x0], $0xffff;
	v0 =	vadd.f32 v2, v0;
	v2 =	vmul.f32 v54, v50  }
0x163: {  	v4 =	vmul.f32 v36, v35;
	v16 =	vld.idx.msk [tilespmem:v58+s19+$0x0], $0xffff;
	v3 =	vadd.f32 v46, v3  }
0x164: {  	v50 =	vld.idx.msk [tilespmem:v41+s18+$0x0], $0xffff;
	v0 =	vadd.f32 v2, v0;
	v2 =	vmul.f32 v59, v55  }
0x165: {  	v52 =	vld.idx.msk [tilespmem:v45+s17+$0x0], $0xffff;
	v51 =	vmul.f32 v43, v40;
	v3 =	vadd.f32 v4, v3  }
0x166: {  	v56 =	vld.idx.msk [tilespmem:v1+s18+$0x0], $0xffff;
	v0 =	vadd.f32 v2, v0;
	v2 =	vmul.f32 v29, v61  }
0x167: {  	v44 =	vld.idx.msk [tilespmem:v33+s19+$0x0], $0xffff;
	v54 =	vmul.f32 v48, v47;
	v3 =	vadd.f32 v51, v3  }
0x168: {  	v55 =	vld.idx.msk [tilespmem:v1+s17+$0x0], $0xffff;
	v0 =	vadd.f32 v2, v0;
	v2 =	vmul.f32 v16, v30  }
0x169: {  	v57 =	vmul.f32 v50, v49;
	v3 =	vadd.f32 v54, v3  }
0x16a: {  	v58 =	vld.idx.msk [tilespmem:v37+s19+$0x0], $0xffff;
	v0 =	vadd.f32 v2, v0;
	v2 =	vmul.f32 v39, v35  }
0x16b: {  	v60 =	vmul.f32 v53, v52;
	v59 =	vld.idx.msk [tilespmem:v41+s19+$0x0], $0xffff;
	v3 =	vadd.f32 v57, v3  }
0x16c: {  	v0 =	vadd.f32 v2, v0;
	v2 =	vld [tilespmem:s28+$0x0]  }
0x16d: {  	v62 =	vld [tilespmem:s22+$0x0];
	v10 =	vmul.f32 v44, v40;
	v9 =	vmul.f32 v56, v55;
	v3 =	vadd.f32 v60, v3  }
0x16e: {  	v61 =	vld.idx.msk [tilespmem:v45+s19+$0x0], $0xffff  }
0x16f: {  	v7 =	vmul.f32 v58, v47;
	v0 =	vadd.f32 v10, v0;
	v3 =	vadd.f32 v9, v3  }
0x170: {  	v1 =	vld.idx.msk [tilespmem:v1+s19+$0x0], $0xffff  }
0x171: {  	v4 =	vmul.f32 v59, v49;
	v0 =	vadd.f32 v7, v0;
	v3 =	vadd.f32 v2, v3;
	_ =	sdelay $0x1  }
0x172: {  	v63 =	vmul.f32 v61, v52;
	v0 =	vadd.f32 v4, v0;
	v3 =	vadd.f32 v62, v3;
	_ =	sdelay $0x1  }
0x173: {  	v1 =	vmul.f32 v1, v55;
	v0 =	vadd.f32 v63, v0;
	[tilespmem:s8+$0x0] =	vst v3  }
0x174: {  	v3 =	vld [tilespmem:s24+$0x0]  }
0x175: {  	v0 =	vadd.f32 v1, v0  }
0x176: {  	p0 =	sne.s32 s9, $0x1F0  }
.Ltmp0:
0x177: {  	v0 =	vadd.f32 v0, v2;
	(pc) =	sbr.rel @p0 .LBB2_2-.Ltmp0, $4  }
0x178: {  	_ = 	snop  }
0x179: {  	v0 =	vadd.f32 v3, v0  }
0x17a: {  	s9 =	sadd.s32 $0x10, s9;
	s22 =	sadd.s32 $0x10, s22;
	s28 =	sadd.s32 $0x10, s28  }
0x17b: {  	s8 =	sadd.s32 $0x10, s8;
	s24 =	sadd.s32 $0x10, s24;
	[tilespmem:s7+$0x0] =	vst v0;
	v0 =	vld [tilespmem:$0x1FFF0];
	s7 =	sadd.s32 $0x10, s7  }
0x17c: {  	s7 =	simm.s32 $0x18C00  }
0x17d: {  	[hbm4b:s10+s4] =	stream.linear.scatter [tilespmem:s7], [sflag:$0x2], $0x200, $0x38;
	[tilespmem:$0x19000] =	vst v63  }
0x17e: {  	s25 =	sadd.s32 $0x1, s25;
	_ =	swait.ge [sflag:s13], $0x200  }
0x17f: {  	p0 =	sne.s32 s25, s12;
	[sflag:s13] =	ssyncset.done $0x0  }
.Ltmp1:
0x180: {  	s28 =	simm.s32 $0x18E00;
	[sflag:s13] =	ssyncadd.s32 $0xFFFFFE00;
	(pc) =	sbr.rel @p0 .LBB2_1-.Ltmp1, $4  }
0x181: {  	[hbm4b:s11+s4] =	stream.linear.scatter [tilespmem:s28], [sflag:$0x2], $0x200, $0x38;
	[tilespmem:$0x19000] =	vst v63  }
0x182: {  	_ =	swait.ge [sflag:s13], $0x200  }
0x183: {  	[sflag:s13] =	ssyncset.done $0x0  }
0x184: {  	[sflag:s13] =	ssyncadd.s32 $0xFFFFFE00  }
0x185: {  	_ =	sfence.sel $0x180000  }
0x186: {  	[bflag:$0x0] =	sbarrier.arrive $0xFFFF  }
0x187: {  	_ =	strace $0x90000047  }
0x188: {  	s0 =	stileid.u32;
	[bflag:$0x2] =	sbarrier.arrive $0xFFFF  }
0x189: {  	p0 =	sne.s32 s0, $0x0;
	s0 =	rddreg [dreg:$0x8]  }
0x18a: {  	s0 =	sadd.s32 @!p0 $0x100000, s0  }
0x18b: {  	[sflag:s0] =	ssyncadd.tile.s32 @!p0 $0x1;
	_ =	shalt  }
.Lfunc_end2:
_tile_overlayer_lowered:
.L_overlay_start_2:
0x18c: {  	(tag) =	ssettag $0x2  }
0x18d: {  	s0 =	rddreg [dreg:$0x0];
	s2 =	stileid.u32  }
0x18e: {  	s1 =	rddreg [dreg:$0x1];
	p0 =	sne.s32 s2, $0x0  }
0x18f: {  	s3 =	rddreg [dreg:$0x2];
	[bflag:$0x3] =	sbarrier.arrive $0xFFFF;
	s2 =	simm.s32 @!p0 $0x1C02  }
0x190: {  	[timem:s3], [sflag:s2] =	dma.local @!p0 [hbm:s0], s1  }
0x191: {  	s0 =	simm.s32 @!p0 $0x2  }
0x192: {  	_ =	swait.ge @!p0 [sflag:s0], s1  }
0x193: {  	s1 =	ssub.s32 @!p0 $0x0, s1;
	[sflag:s0] =	ssyncset.done @!p0 $0x0  }
0x194: {  	[sflag:s0] =	ssyncadd.s32 @!p0 s1  }
0x195: {  	[bflag:$0x3] =	sbarrier.arrive $0xFFFF  }
0x196: {  	_ =	shalt  }

</sc_bundles>
